<compile_context>
chip_gen: v7x
topology: tpu7x:2x2x1
jax: 0.10.2.dev20260603
libtpu: 0.0.44.dev20260713+nightly
codegen_flags: <defaults>
</compile_context>

<pallas_src>
import functools
import math

import jax
import jax.numpy as jnp
import numpy as np
from jax import lax
from jax.experimental import pallas as pl
from jax.experimental.pallas import tpu as pltpu
from jax.experimental.pallas import tpu_sc as plsc

_E = 256
_H = 256
_NBINS = 256
_F0_MIN, _F0_MAX = 71.0, 795.8
_EN_MIN, _EN_MAX = 0.0, 315.0
_LOG_OFFSET = 1.0
_MAXLEN = 2048


def _relu(x):
    return jnp.maximum(x, 0.0)


def _ln(x, g, b):
    m = jnp.mean(x, axis=-1, keepdims=True)
    d = x - m
    v = jnp.mean(d * d, axis=-1, keepdims=True)
    return d / jnp.sqrt(v + 1e-5) * g + b


def _row_sum(x):
    ones_col = jnp.ones((x.shape[1], 1), jnp.float32)
    return _dot(x, ones_col)


def _ln_fast(x, g, b):
    m = jnp.mean(x, axis=-1, keepdims=True)
    ms = jnp.mean(x * x, axis=-1, keepdims=True)
    inv = lax.rsqrt(jnp.maximum(ms - m * m, 0.0) + 1e-5)
    return (x - m) * inv * g + b


def _dot(a, b, precision=None):
    return jax.lax.dot_general(a, b, (((1,), (0,)), ((), ())),
                               preferred_element_type=jnp.float32,
                               precision=precision)


def _shift_down(x, period):
    if x.shape[0] == period:
        z = jnp.zeros((1, x.shape[1]), x.dtype)
        return jnp.concatenate([z, x[:-1]], axis=0)
    r = jnp.roll(x, 1, axis=0)
    i = lax.broadcasted_iota(jnp.int32, x.shape, 0)
    return jnp.where((i & (period - 1)) == 0, 0.0, r)


def _shift_up(x, period):
    if x.shape[0] == period:
        z = jnp.zeros((1, x.shape[1]), x.dtype)
        return jnp.concatenate([x[1:], z], axis=0)
    r = jnp.roll(x, -1, axis=0)
    i = lax.broadcasted_iota(jnp.int32, x.shape, 0)
    return jnp.where((i & (period - 1)) == period - 1, 0.0, r)


def _conv3(x, w_ref, b_ref, period, precision=None):
    y = _dot(_shift_down(x, period), w_ref[0], precision)
    y = y + _dot(x, w_ref[1], precision)
    y = y + _dot(_shift_up(x, period), w_ref[2], precision)
    return y + b_ref[0]


def _predictor(x, r, period, ln=_ln, precision=None):
    h = _relu(_conv3(x, r['conv1_w'], r['conv1_b'], period, precision))
    h = ln(h, r['ln1_g'][0], r['ln1_b'][0])
    h = _relu(_conv3(h, r['conv2_w'], r['conv2_b'], period, precision))
    h = ln(h, r['ln2_g'][0], r['ln2_b'][0])
    return _dot(h, r['lin_w'][...], precision) + r['lin_b'][0]


_PKEYS = ('conv1_w', 'conv1_b', 'ln1_g', 'ln1_b', 'conv2_w', 'conv2_b',
          'ln2_g', 'ln2_b', 'lin_w', 'lin_b')


def _param_ops(p):
    ops = []
    for k in _PKEYS:
        a = p[k]
        if a.ndim == 1:
            a = a[None, :]
        ops.append(a)
    return ops


def _param_specs():
    specs = []
    for k in _PKEYS:
        if k.endswith('_w') and k.startswith('conv'):
            specs.append(pl.BlockSpec((3, _H, _H), lambda b: (0, 0, 0)))
        elif k == 'lin_w':
            specs.append(pl.BlockSpec((_H, 1), lambda b: (0, 0)))
        elif k == 'lin_b':
            specs.append(pl.BlockSpec((1, 1), lambda b: (0, 0)))
        else:
            specs.append(pl.BlockSpec((1, _H), lambda b: (0, 0)))
    return specs


def _refs_to_dict(refs):
    return dict(zip(_PKEYS, refs))




def _stage_a_body(x_ref, *rest):
    refs = rest[:10]
    dur_ref, gidx_ref, mel_ref, tab_ref = rest[10:]
    b = pl.program_id(0)
    x = x_ref[0]
    T = x.shape[0]

    tab_ref[:T] = x
    tab_ref[T:T + 8] = jnp.zeros((8, x.shape[1]), x.dtype)

    log_d = _predictor(x, _refs_to_dict(refs), T)
    dur = jnp.maximum(jnp.round(jnp.exp(log_d)) - _LOG_OFFSET, 0.0)
    dur_ref[...] = jnp.transpose(dur).reshape(1, 1, T)

    r_i = lax.broadcasted_iota(jnp.int32, (T, T), 0)
    c_i = lax.broadcasted_iota(jnp.int32, (T, T), 1)
    tril = (c_i <= r_i).astype(jnp.float32)
    cs = _dot(tril, dur)

    pos = lax.broadcasted_iota(jnp.int32, (1, _MAXLEN), 1).astype(jnp.float32)
    mask = (cs <= pos).astype(jnp.float32)
    ones_row = jnp.ones((1, T), jnp.float32)
    idx_row = _dot(ones_row, mask)
    gidx_ref[0] = (idx_row + (b * (T + 8)).astype(jnp.float32)).astype(jnp.int32)

    mel = jnp.minimum(cs[T - 1:T, 0:1], float(_MAXLEN))
    mel_ref[0] = mel.astype(jnp.int32)


def _stage_a(X, dur_params):
    B, T, E = X.shape
    ops = _param_ops(dur_params)
    grid = (B,)
    in_specs = [pl.BlockSpec((1, T, E), lambda b: (b, 0, 0))] + _param_specs()
    out_shape = [
        jax.ShapeDtypeStruct((B, 1, T), jnp.float32),
        jax.ShapeDtypeStruct((B, 1, _MAXLEN), jnp.int32),
        jax.ShapeDtypeStruct((B, 1, 1), jnp.int32),
        jax.ShapeDtypeStruct((B * (T + 8), E), jnp.float32),
    ]
    out_specs = [
        pl.BlockSpec((1, 1, T), lambda b: (b, 0, 0)),
        pl.BlockSpec((1, 1, _MAXLEN), lambda b: (b, 0, 0)),
        pl.BlockSpec((1, 1, 1), lambda b: (b, 0, 0)),
        pl.BlockSpec((T + 8, E), lambda b: (b, 0)),
    ]
    return pl.pallas_call(
        _stage_a_body,
        grid=grid,
        in_specs=in_specs,
        out_specs=out_specs,
        out_shape=out_shape,
    )(X, *ops)



_SC_CHUNK = 128


_SC_N0 = 8
_SC_N1 = 8


def _maybe_when(cond, fn):
    if isinstance(cond, bool):
        if cond:
            fn()
    else:
        pl.when(cond)(fn)


def _sc_gather(table, gidx, n_rows, d):
    info = plsc.get_sparse_core_info()
    nc, ns = info.num_cores, info.num_subcores
    assert nc == 2 and ns * (_SC_N0 + _SC_N1) * _SC_CHUNK == n_rows
    mesh = plsc.VectorSubcoreMesh(core_axis_name="c", subcore_axis_name="s")

    nbuf = 3
    maxn = max(_SC_N0, _SC_N1)

    @functools.partial(
        pl.kernel,
        mesh=mesh,
        out_type=jax.ShapeDtypeStruct((n_rows, d), jnp.float32),
        scratch_types=[pltpu.VMEM((_SC_CHUNK,), jnp.int32) for _ in range(nbuf)]
          + [pltpu.VMEM((_SC_CHUNK, d), jnp.float32) for _ in range(nbuf)]
          + [pltpu.SemaphoreType.DMA for _ in range(nbuf)]
          + [pltpu.SemaphoreType.DMA for _ in range(nbuf)],
    )
    def gather_k(table_hbm, idx_hbm, out_hbm, *bs):
        idxb = bs[:nbuf]
        rows = bs[nbuf:2 * nbuf]
        gsem = bs[2 * nbuf:3 * nbuf]
        wsem = bs[3 * nbuf:4 * nbuf]
        c = lax.axis_index("c")
        s = lax.axis_index("s")
        if _SC_N0 == _SC_N1:
            my_n = _SC_N0
            start_chunk = (s * nc + c) * _SC_N0
        else:
            my_n = jnp.where(c == 0, _SC_N0, _SC_N1)
            start_chunk = jnp.where(c == 0, s * _SC_N0,
                                    ns * _SC_N0 + s * _SC_N1)
        base = start_chunk * _SC_CHUNK
        for i in range(maxn + 2):
            if i < maxn:
                b = i % nbuf

                def _issue(i=i, b=b):
                    if i >= nbuf:
                        poff = base + (i - nbuf) * _SC_CHUNK
                        pltpu.make_async_copy(
                            rows[b], out_hbm.at[pl.ds(poff, _SC_CHUNK)],
                            wsem[b]).wait()
                    off = base + i * _SC_CHUNK
                    pltpu.sync_copy(idx_hbm.at[pl.ds(off, _SC_CHUNK)], idxb[b])
                    pltpu.async_copy(table_hbm.at[idxb[b]], rows[b], gsem[b])

                _maybe_when(i < my_n, _issue)
            if i >= 2:
                j = i - 2
                bj = j % nbuf

                def _drain(j=j, bj=bj):
                    joff = base + j * _SC_CHUNK
                    pltpu.make_async_copy(table_hbm.at[idxb[bj]], rows[bj],
                                          gsem[bj]).wait()
                    pltpu.async_copy(rows[bj],
                                     out_hbm.at[pl.ds(joff, _SC_CHUNK)],
                                     wsem[bj])

                _maybe_when(j < my_n, _drain)
        for j in range(maxn):
            bj = j % nbuf

            def _final(j=j, bj=bj):
                joff = base + j * _SC_CHUNK
                pltpu.make_async_copy(
                    rows[bj], out_hbm.at[pl.ds(joff, _SC_CHUNK)],
                    wsem[bj]).wait()

            _maybe_when((j >= my_n - nbuf) & (j < my_n), _final)

    return gather_k(table, gidx)




def _stage_c_body(xe_ref, *rest):
    prefs = rest[:10]
    erefs = rest[10:20]
    emb_ref, pbins_ref, ebins_ref = rest[20:23]
    out_ref, pp_ref, ep_ref = rest[23:]

    blk = xe_ref.shape[0]
    xe = xe_ref[...].reshape(blk * _MAXLEN, xe_ref.shape[2])
    n = xe.shape[0]

    ppred = _predictor(xe, _refs_to_dict(prefs), _MAXLEN, ln=_ln_fast)
    epred = _predictor(xe, _refs_to_dict(erefs), _MAXLEN, ln=_ln_fast)
    pp_ref[...] = jnp.transpose(ppred).reshape(blk, 1, _MAXLEN)
    ep_ref[...] = jnp.transpose(epred).reshape(blk, 1, _MAXLEN)

    lane = lax.broadcasted_iota(jnp.int32, (n, _NBINS), 1).astype(jnp.float32)

    pbins = pbins_ref[0:1, :]
    pcnt = _row_sum((pbins < ppred).astype(jnp.float32))
    p_oh = (lane == pcnt).astype(jnp.float32)
    ebins = ebins_ref[0:1, :]
    ecnt = _row_sum((ebins < epred).astype(jnp.float32))
    e_oh = (lane == ecnt).astype(jnp.float32)

    oh = jnp.concatenate([p_oh, e_oh], axis=1)
    res = xe + _dot(oh, emb_ref[...])
    out_ref[...] = res.reshape(blk, _MAXLEN, res.shape[1])


def _stage_c(Xe, pitch_params, energy_params, pitch_emb, energy_emb,
             pbins_pad, ebins_pad, blk=1):
    B, N, E = Xe.shape
    emb2 = jnp.concatenate([pitch_emb, energy_emb], axis=0)
    ops = (_param_ops(pitch_params) + _param_ops(energy_params)
           + [emb2, pbins_pad, ebins_pad])
    in_specs = (
        [pl.BlockSpec((blk, N, E), lambda b: (b, 0, 0))]
        + _param_specs() + _param_specs()
        + [pl.BlockSpec((2 * _NBINS, E), lambda b: (0, 0)),
           pl.BlockSpec((8, _NBINS), lambda b: (0, 0)),
           pl.BlockSpec((8, _NBINS), lambda b: (0, 0))]
    )
    out_shape = [
        jax.ShapeDtypeStruct((B, N, E), jnp.float32),
        jax.ShapeDtypeStruct((B, 1, N), jnp.float32),
        jax.ShapeDtypeStruct((B, 1, N), jnp.float32),
    ]
    out_specs = [
        pl.BlockSpec((blk, N, E), lambda b: (b, 0, 0)),
        pl.BlockSpec((blk, 1, N), lambda b: (b, 0, 0)),
        pl.BlockSpec((blk, 1, N), lambda b: (b, 0, 0)),
    ]
    return pl.pallas_call(
        _stage_c_body,
        grid=(B // blk,),
        in_specs=in_specs,
        out_specs=out_specs,
        out_shape=out_shape,
    )(Xe, *ops)


def kernel(X, dur_params, pitch_params, energy_params, pitch_emb, energy_emb,
           max_length):
    B, T, E = X.shape

    dur3, gidx3, mel3, table = _stage_a(X, dur_params)
    duration = dur3.reshape(B, T)
    mel_len = mel3.reshape(B)

    gidx = gidx3.reshape(B * _MAXLEN)

    Xe = _sc_gather(table, gidx, B * _MAXLEN, E).reshape(B, _MAXLEN, E)

    pbins = np.exp(np.linspace(math.log(_F0_MIN), math.log(_F0_MAX),
                               _NBINS - 1, dtype=np.float64)).astype(np.float32)
    ebins = np.linspace(_EN_MIN, _EN_MAX, _NBINS - 1, dtype=np.float32)
    pbins_pad = np.tile(np.concatenate([pbins, [np.inf]]).astype(np.float32)[None, :],
                        (8, 1))
    ebins_pad = np.tile(np.concatenate([ebins, [np.inf]]).astype(np.float32)[None, :],
                        (8, 1))

    out3, pp3, ep3 = _stage_c(Xe, pitch_params, energy_params,
                              pitch_emb, energy_emb,
                              jnp.asarray(pbins_pad), jnp.asarray(ebins_pad))

    return (out3, mel_len, duration, pp3.reshape(B, _MAXLEN),
            ep3.reshape(B, _MAXLEN))

# --- scband reference (transcript-rebuilt; emitter-appended) ---
"""Pipeline reference for scband-variance-adapter-48241072669338 (READ-ONLY COPY).

The authoritative reference and input builder live on the scoring server;
editing this copy changes nothing except your own understanding.
"""

import math
import jax, jax.numpy as jnp
import numpy as np

E = 256
H = 256
K = 3
NBINS = 256
F0_MIN, F0_MAX = 71.0, 795.8
EN_MIN, EN_MAX = 0.0, 315.0
LOG_OFFSET = 1.0
MAX_LENGTH = 2048


def _predictor_params(key, in_dim, final_bias=0.0, lin_scale=0.05):
    ks = jax.random.split(key, 3)
    return {
        'conv1_w': jax.random.normal(ks[0], (K, in_dim, H), jnp.float32) * 0.05,
        'conv1_b': jnp.zeros((H,), jnp.float32),
        'ln1_g': jnp.ones((H,), jnp.float32),
        'ln1_b': jnp.zeros((H,), jnp.float32),
        'conv2_w': jax.random.normal(ks[1], (K, H, H), jnp.float32) * 0.05,
        'conv2_b': jnp.zeros((H,), jnp.float32),
        'ln2_g': jnp.ones((H,), jnp.float32),
        'ln2_b': jnp.zeros((H,), jnp.float32),
        'lin_w': jax.random.normal(ks[2], (H, 1), jnp.float32) * lin_scale,
        'lin_b': jnp.full((1,), final_bias, jnp.float32),
    }


def _layernorm(x, g, b):
    m = jnp.mean(x, axis=-1, keepdims=True)
    v = jnp.var(x, axis=-1, keepdims=True)
    return (x - m) / jnp.sqrt(v + 1e-5) * g + b


def _conv1d_same(x, w, b):
    y = jax.lax.conv_general_dilated(x, w, (1,), 'SAME', dimension_numbers=('NWC', 'WIO', 'NWC'))
    return y + b


def _variance_predictor(x, p):
    h = jax.nn.relu(_conv1d_same(x, p['conv1_w'], p['conv1_b']))
    h = _layernorm(h, p['ln1_g'], p['ln1_b'])
    h = jax.nn.relu(_conv1d_same(h, p['conv2_w'], p['conv2_b']))
    h = _layernorm(h, p['ln2_g'], p['ln2_b'])
    return (h @ p['lin_w'] + p['lin_b'])[..., 0]


def _lr_indices(duration_int, max_length):
    B, T = duration_int.shape
    cs = jnp.cumsum(duration_int, axis=1)
    pos = jnp.arange(MAX_LENGTH, dtype=jnp.int32)
    idx = jax.vmap(lambda c: jnp.searchsorted(c, pos, side='right'))(cs).astype(jnp.int32)
    mel_len = jnp.minimum(cs[:, -1], max_length).astype(jnp.int32)
    return idx, mel_len


def setup_inputs(seed: int = 0):
    key = jax.random.key(seed)
    ks = jax.random.split(key, 6)
    X = jax.random.normal(ks[0], (16, 512, E), jnp.float32)
    return {
        'X': X,
        'dur_params': _predictor_params(ks[1], E, final_bias=1.1, lin_scale=0.05),
        'pitch_params': _predictor_params(ks[2], E, final_bias=200.0, lin_scale=5.0),
        'energy_params': _predictor_params(ks[3], E, final_bias=100.0, lin_scale=5.0),
        'pitch_emb': jax.random.normal(ks[4], (H, E), jnp.float32) * 0.05,
        'energy_emb': jax.random.normal(ks[5], (H, E), jnp.float32) * 0.05,
        'max_length': 2048,
    }


def reference(X, dur_params, pitch_params, energy_params, pitch_emb, energy_emb, max_length):
    B, T, _ = X.shape
    d_control = p_control = e_control = 1.0
    log_duration = _variance_predictor(X, dur_params)
    duration = jnp.clip(jnp.round(jnp.exp(log_duration)) - LOG_OFFSET, 0.0, None) * d_control
    idx, mel_len = _lr_indices(duration.astype(jnp.int32), max_length)
    Xp = jnp.concatenate([X, jnp.zeros((B, 1, X.shape[-1]), X.dtype)], axis=1)
    Xe = jax.vmap(lambda xb, ib: xb[ib])(Xp, idx)
    pitch_bins = jnp.exp(jnp.linspace(math.log(F0_MIN), math.log(F0_MAX), NBINS - 1))
    energy_bins = jnp.linspace(EN_MIN, EN_MAX, NBINS - 1)
    pitch_pred = _variance_predictor(Xe, pitch_params) * p_control
    pitch_e = jnp.take(pitch_emb, jnp.searchsorted(pitch_bins, pitch_pred, side='left'), axis=0)
    energy_pred = _variance_predictor(Xe, energy_params) * e_control
    energy_e = jnp.take(energy_emb, jnp.searchsorted(energy_bins, energy_pred, side='left'), axis=0)
    out = Xe + energy_e + pitch_e
    return out, mel_len, duration, pitch_pred, energy_pred

if __name__ == "__main__":
    import jax
    _d = setup_inputs()
    print(jax.jit(kernel)(*tuple(_d.values())))

</pallas_src>

<mosaic_0001>
#map = affine_map<(d0, d1) -> (0, 0)>
#map1 = affine_map<(d0, d1) -> (0)>
module attributes {stable_mosaic.version = 14 : i64} {
  func.func @gather_k(%arg0: i32, %arg1: i32, %arg2: memref<8320x256xf32, #tpu.memory_space<hbm>>, %arg3: memref<32768xi32, #tpu.memory_space<hbm>>, %arg4: memref<32768x256xf32, #tpu.memory_space<hbm>>, %arg5: memref<128xi32, #tpu.memory_space<vmem>>, %arg6: memref<128xi32, #tpu.memory_space<vmem>>, %arg7: memref<128xi32, #tpu.memory_space<vmem>>, %arg8: memref<128x256xf32, #tpu.memory_space<vmem>>, %arg9: memref<128x256xf32, #tpu.memory_space<vmem>>, %arg10: memref<128x256xf32, #tpu.memory_space<vmem>>, %arg11: memref<!tpu.dma_semaphore, #tpu.memory_space<semaphore_mem>>, %arg12: memref<!tpu.dma_semaphore, #tpu.memory_space<semaphore_mem>>, %arg13: memref<!tpu.dma_semaphore, #tpu.memory_space<semaphore_mem>>, %arg14: memref<!tpu.dma_semaphore, #tpu.memory_space<semaphore_mem>>, %arg15: memref<!tpu.dma_semaphore, #tpu.memory_space<semaphore_mem>>, %arg16: memref<!tpu.dma_semaphore, #tpu.memory_space<semaphore_mem>>) attributes {dimension_semantics = [#tpu.dimension_semantics<core_parallel>, #tpu.dimension_semantics<subcore_parallel>], iteration_bounds = array<i64: 2, 16>, scalar_prefetch = 0 : i64, scratch_operands = 12 : i64, tpu.core_type = #tpu.core_type<sc_vector_subcore>, window_params = [{transform_indices = #map}, {transform_indices = #map1}, {transform_indices = #map}]} {
    %mul3A = arith.constant 2 : i32
    %mul3A_0 = arith.muli %arg1, %mul3A : i32
    %add3A = arith.addi %mul3A_0, %arg0 : i32
    %mul3A_1 = arith.constant 8 : i32
    %mul3A_2 = arith.muli %add3A, %mul3A_1 : i32
    %mul3A_3 = arith.constant 128 : i32
    %mul3A_4 = arith.muli %mul3A_2, %mul3A_3 : i32
    %add3A_5 = arith.constant 0 : i32
    %add3A_6 = arith.addi %mul3A_4, %add3A_5 : i32
    "tpu.region"() ({
      %run_scoped3A = tpu.sem_alloc : memref<!tpu.dma_semaphore, #tpu.memory_space<semaphore_mem>>
      %dma_start3A_163 = tpu.memref_slice %arg3[%add3A_6] : memref<32768xi32, #tpu.memory_space<hbm>> -> memref<128xi32, #tpu.memory_space<hbm>>
      %dma_start3A_164 = tpu.memref_slice %arg3[%add3A_6] : memref<32768xi32, #tpu.memory_space<hbm>> -> memref<128xi32, #tpu.memory_space<hbm>>
      tpu.enqueue_dma source(%dma_start3A_164 : memref<128xi32, #tpu.memory_space<hbm>>) target(%arg5 : memref<128xi32, #tpu.memory_space<vmem>>) target_semaphore(%run_scoped3A : memref<!tpu.dma_semaphore, #tpu.memory_space<semaphore_mem>>)
      %dma_wait3A_165 = tpu.memref_slice %arg3[%add3A_6] : memref<32768xi32, #tpu.memory_space<hbm>> -> memref<128xi32, #tpu.memory_space<hbm>>
      %dma_wait3A_166 = tpu.memref_slice %arg3[%add3A_6] : memref<32768xi32, #tpu.memory_space<hbm>> -> memref<128xi32, #tpu.memory_space<hbm>>
      tpu.wait_dma2 semaphore(%run_scoped3A : memref<!tpu.dma_semaphore, #tpu.memory_space<semaphore_mem>>) src(%dma_wait3A_166 : memref<128xi32, #tpu.memory_space<hbm>>) dst(%arg5 : memref<128xi32, #tpu.memory_space<vmem>>)
      tpu.yield
    }) : () -> ()
    %dma_start3A = arith.constant 0 : i32
    %dma_start3A_7 = arith.constant 0 : i32
    %dma_start3A_8 = tpu.memref_slice %arg2[%dma_start3A, %dma_start3A_7] : memref<8320x256xf32, #tpu.memory_space<hbm>> -> memref<8320x256xf32, #tpu.memory_space<hbm>>
    tpu.enqueue_indirect_dma source(%dma_start3A_8 : memref<8320x256xf32, #tpu.memory_space<hbm>>) target(%arg8 : memref<128x256xf32, #tpu.memory_space<vmem>>) offsets(%arg5 : memref<128xi32, #tpu.memory_space<vmem>>) semaphore(%arg11 : memref<!tpu.dma_semaphore, #tpu.memory_space<semaphore_mem>>)
    %add3A_9 = arith.constant 128 : i32
    %add3A_10 = arith.addi %mul3A_4, %add3A_9 : i32
    "tpu.region"() ({
      %run_scoped3A = tpu.sem_alloc : memref<!tpu.dma_semaphore, #tpu.memory_space<semaphore_mem>>
      %dma_start3A_163 = tpu.memref_slice %arg3[%add3A_10] : memref<32768xi32, #tpu.memory_space<hbm>> -> memref<128xi32, #tpu.memory_space<hbm>>
      %dma_start3A_164 = tpu.memref_slice %arg3[%add3A_10] : memref<32768xi32, #tpu.memory_space<hbm>> -> memref<128xi32, #tpu.memory_space<hbm>>
      tpu.enqueue_dma source(%dma_start3A_164 : memref<128xi32, #tpu.memory_space<hbm>>) target(%arg6 : memref<128xi32, #tpu.memory_space<vmem>>) target_semaphore(%run_scoped3A : memref<!tpu.dma_semaphore, #tpu.memory_space<semaphore_mem>>)
      %dma_wait3A_165 = tpu.memref_slice %arg3[%add3A_10] : memref<32768xi32, #tpu.memory_space<hbm>> -> memref<128xi32, #tpu.memory_space<hbm>>
      %dma_wait3A_166 = tpu.memref_slice %arg3[%add3A_10] : memref<32768xi32, #tpu.memory_space<hbm>> -> memref<128xi32, #tpu.memory_space<hbm>>
      tpu.wait_dma2 semaphore(%run_scoped3A : memref<!tpu.dma_semaphore, #tpu.memory_space<semaphore_mem>>) src(%dma_wait3A_166 : memref<128xi32, #tpu.memory_space<hbm>>) dst(%arg6 : memref<128xi32, #tpu.memory_space<vmem>>)
      tpu.yield
    }) : () -> ()
    %dma_start3A_11 = arith.constant 0 : i32
    %dma_start3A_12 = arith.constant 0 : i32
    %dma_start3A_13 = tpu.memref_slice %arg2[%dma_start3A_11, %dma_start3A_12] : memref<8320x256xf32, #tpu.memory_space<hbm>> -> memref<8320x256xf32, #tpu.memory_space<hbm>>
    tpu.enqueue_indirect_dma source(%dma_start3A_13 : memref<8320x256xf32, #tpu.memory_space<hbm>>) target(%arg9 : memref<128x256xf32, #tpu.memory_space<vmem>>) offsets(%arg6 : memref<128xi32, #tpu.memory_space<vmem>>) semaphore(%arg12 : memref<!tpu.dma_semaphore, #tpu.memory_space<semaphore_mem>>)
    %add3A_14 = arith.constant 256 : i32
    %add3A_15 = arith.addi %mul3A_4, %add3A_14 : i32
    "tpu.region"() ({
      %run_scoped3A = tpu.sem_alloc : memref<!tpu.dma_semaphore, #tpu.memory_space<semaphore_mem>>
      %dma_start3A_163 = tpu.memref_slice %arg3[%add3A_15] : memref<32768xi32, #tpu.memory_space<hbm>> -> memref<128xi32, #tpu.memory_space<hbm>>
      %dma_start3A_164 = tpu.memref_slice %arg3[%add3A_15] : memref<32768xi32, #tpu.memory_space<hbm>> -> memref<128xi32, #tpu.memory_space<hbm>>
      tpu.enqueue_dma source(%dma_start3A_164 : memref<128xi32, #tpu.memory_space<hbm>>) target(%arg7 : memref<128xi32, #tpu.memory_space<vmem>>) target_semaphore(%run_scoped3A : memref<!tpu.dma_semaphore, #tpu.memory_space<semaphore_mem>>)
      %dma_wait3A_165 = tpu.memref_slice %arg3[%add3A_15] : memref<32768xi32, #tpu.memory_space<hbm>> -> memref<128xi32, #tpu.memory_space<hbm>>
      %dma_wait3A_166 = tpu.memref_slice %arg3[%add3A_15] : memref<32768xi32, #tpu.memory_space<hbm>> -> memref<128xi32, #tpu.memory_space<hbm>>
      tpu.wait_dma2 semaphore(%run_scoped3A : memref<!tpu.dma_semaphore, #tpu.memory_space<semaphore_mem>>) src(%dma_wait3A_166 : memref<128xi32, #tpu.memory_space<hbm>>) dst(%arg7 : memref<128xi32, #tpu.memory_space<vmem>>)
      tpu.yield
    }) : () -> ()
    %dma_start3A_16 = arith.constant 0 : i32
    %dma_start3A_17 = arith.constant 0 : i32
    %dma_start3A_18 = tpu.memref_slice %arg2[%dma_start3A_16, %dma_start3A_17] : memref<8320x256xf32, #tpu.memory_space<hbm>> -> memref<8320x256xf32, #tpu.memory_space<hbm>>
    tpu.enqueue_indirect_dma source(%dma_start3A_18 : memref<8320x256xf32, #tpu.memory_space<hbm>>) target(%arg10 : memref<128x256xf32, #tpu.memory_space<vmem>>) offsets(%arg7 : memref<128xi32, #tpu.memory_space<vmem>>) semaphore(%arg13 : memref<!tpu.dma_semaphore, #tpu.memory_space<semaphore_mem>>)
    %add3A_19 = arith.constant 0 : i32
    %add3A_20 = arith.addi %mul3A_4, %add3A_19 : i32
    %dma_wait3A = arith.constant 0 : i32
    %dma_wait3A_21 = arith.constant 0 : i32
    %dma_wait3A_22 = tpu.memref_slice %arg2[%dma_wait3A, %dma_wait3A_21] : memref<8320x256xf32, #tpu.memory_space<hbm>> -> memref<8320x256xf32, #tpu.memory_space<hbm>>
    tpu.wait_indirect_dma semaphore(%arg11 : memref<!tpu.dma_semaphore, #tpu.memory_space<semaphore_mem>>) src(%dma_wait3A_22 : memref<8320x256xf32, #tpu.memory_space<hbm>>) dst(%arg8 : memref<128x256xf32, #tpu.memory_space<vmem>>)
    %dma_start3A_23 = arith.constant 0 : i32
    %dma_start3A_24 = tpu.memref_slice %arg4[%add3A_20, %dma_start3A_23] : memref<32768x256xf32, #tpu.memory_space<hbm>> -> memref<128x256xf32, #tpu.memory_space<hbm>>
    %dma_start3A_25 = arith.constant 0 : i32
    %dma_start3A_26 = tpu.memref_slice %arg4[%add3A_20, %dma_start3A_25] : memref<32768x256xf32, #tpu.memory_space<hbm>> -> memref<128x256xf32, #tpu.memory_space<hbm>>
    tpu.enqueue_dma source(%arg8 : memref<128x256xf32, #tpu.memory_space<vmem>>) target(%dma_start3A_26 : memref<128x256xf32, #tpu.memory_space<hbm>>) target_semaphore(%arg14 : memref<!tpu.dma_semaphore, #tpu.memory_space<semaphore_mem>>)
    %add3A_27 = arith.constant 0 : i32
    %add3A_28 = arith.addi %mul3A_4, %add3A_27 : i32
    %dma_wait3A_29 = arith.constant 0 : i32
    %dma_wait3A_30 = tpu.memref_slice %arg4[%add3A_28, %dma_wait3A_29] : memref<32768x256xf32, #tpu.memory_space<hbm>> -> memref<128x256xf32, #tpu.memory_space<hbm>>
    %dma_wait3A_31 = arith.constant 0 : i32
    %dma_wait3A_32 = tpu.memref_slice %arg4[%add3A_28, %dma_wait3A_31] : memref<32768x256xf32, #tpu.memory_space<hbm>> -> memref<128x256xf32, #tpu.memory_space<hbm>>
    tpu.wait_dma2 semaphore(%arg14 : memref<!tpu.dma_semaphore, #tpu.memory_space<semaphore_mem>>) src(%arg8 : memref<128x256xf32, #tpu.memory_space<vmem>>) dst(%dma_wait3A_32 : memref<128x256xf32, #tpu.memory_space<hbm>>)
    %add3A_33 = arith.constant 384 : i32
    %add3A_34 = arith.addi %mul3A_4, %add3A_33 : i32
    "tpu.region"() ({
      %run_scoped3A = tpu.sem_alloc : memref<!tpu.dma_semaphore, #tpu.memory_space<semaphore_mem>>
      %dma_start3A_163 = tpu.memref_slice %arg3[%add3A_34] : memref<32768xi32, #tpu.memory_space<hbm>> -> memref<128xi32, #tpu.memory_space<hbm>>
      %dma_start3A_164 = tpu.memref_slice %arg3[%add3A_34] : memref<32768xi32, #tpu.memory_space<hbm>> -> memref<128xi32, #tpu.memory_space<hbm>>
      tpu.enqueue_dma source(%dma_start3A_164 : memref<128xi32, #tpu.memory_space<hbm>>) target(%arg5 : memref<128xi32, #tpu.memory_space<vmem>>) target_semaphore(%run_scoped3A : memref<!tpu.dma_semaphore, #tpu.memory_space<semaphore_mem>>)
      %dma_wait3A_165 = tpu.memref_slice %arg3[%add3A_34] : memref<32768xi32, #tpu.memory_space<hbm>> -> memref<128xi32, #tpu.memory_space<hbm>>
      %dma_wait3A_166 = tpu.memref_slice %arg3[%add3A_34] : memref<32768xi32, #tpu.memory_space<hbm>> -> memref<128xi32, #tpu.memory_space<hbm>>
      tpu.wait_dma2 semaphore(%run_scoped3A : memref<!tpu.dma_semaphore, #tpu.memory_space<semaphore_mem>>) src(%dma_wait3A_166 : memref<128xi32, #tpu.memory_space<hbm>>) dst(%arg5 : memref<128xi32, #tpu.memory_space<vmem>>)
      tpu.yield
    }) : () -> ()
    %dma_start3A_35 = arith.constant 0 : i32
    %dma_start3A_36 = arith.constant 0 : i32
    %dma_start3A_37 = tpu.memref_slice %arg2[%dma_start3A_35, %dma_start3A_36] : memref<8320x256xf32, #tpu.memory_space<hbm>> -> memref<8320x256xf32, #tpu.memory_space<hbm>>
    tpu.enqueue_indirect_dma source(%dma_start3A_37 : memref<8320x256xf32, #tpu.memory_space<hbm>>) target(%arg8 : memref<128x256xf32, #tpu.memory_space<vmem>>) offsets(%arg5 : memref<128xi32, #tpu.memory_space<vmem>>) semaphore(%arg11 : memref<!tpu.dma_semaphore, #tpu.memory_space<semaphore_mem>>)
    %add3A_38 = arith.constant 128 : i32
    %add3A_39 = arith.addi %mul3A_4, %add3A_38 : i32
    %dma_wait3A_40 = arith.constant 0 : i32
    %dma_wait3A_41 = arith.constant 0 : i32
    %dma_wait3A_42 = tpu.memref_slice %arg2[%dma_wait3A_40, %dma_wait3A_41] : memref<8320x256xf32, #tpu.memory_space<hbm>> -> memref<8320x256xf32, #tpu.memory_space<hbm>>
    tpu.wait_indirect_dma semaphore(%arg12 : memref<!tpu.dma_semaphore, #tpu.memory_space<semaphore_mem>>) src(%dma_wait3A_42 : memref<8320x256xf32, #tpu.memory_space<hbm>>) dst(%arg9 : memref<128x256xf32, #tpu.memory_space<vmem>>)
    %dma_start3A_43 = arith.constant 0 : i32
    %dma_start3A_44 = tpu.memref_slice %arg4[%add3A_39, %dma_start3A_43] : memref<32768x256xf32, #tpu.memory_space<hbm>> -> memref<128x256xf32, #tpu.memory_space<hbm>>
    %dma_start3A_45 = arith.constant 0 : i32
    %dma_start3A_46 = tpu.memref_slice %arg4[%add3A_39, %dma_start3A_45] : memref<32768x256xf32, #tpu.memory_space<hbm>> -> memref<128x256xf32, #tpu.memory_space<hbm>>
    tpu.enqueue_dma source(%arg9 : memref<128x256xf32, #tpu.memory_space<vmem>>) target(%dma_start3A_46 : memref<128x256xf32, #tpu.memory_space<hbm>>) target_semaphore(%arg15 : memref<!tpu.dma_semaphore, #tpu.memory_space<semaphore_mem>>)
    %add3A_47 = arith.constant 128 : i32
    %add3A_48 = arith.addi %mul3A_4, %add3A_47 : i32
    %dma_wait3A_49 = arith.constant 0 : i32
    %dma_wait3A_50 = tpu.memref_slice %arg4[%add3A_48, %dma_wait3A_49] : memref<32768x256xf32, #tpu.memory_space<hbm>> -> memref<128x256xf32, #tpu.memory_space<hbm>>
    %dma_wait3A_51 = arith.constant 0 : i32
    %dma_wait3A_52 = tpu.memref_slice %arg4[%add3A_48, %dma_wait3A_51] : memref<32768x256xf32, #tpu.memory_space<hbm>> -> memref<128x256xf32, #tpu.memory_space<hbm>>
    tpu.wait_dma2 semaphore(%arg15 : memref<!tpu.dma_semaphore, #tpu.memory_space<semaphore_mem>>) src(%arg9 : memref<128x256xf32, #tpu.memory_space<vmem>>) dst(%dma_wait3A_52 : memref<128x256xf32, #tpu.memory_space<hbm>>)
    %add3A_53 = arith.constant 512 : i32
    %add3A_54 = arith.addi %mul3A_4, %add3A_53 : i32
    "tpu.region"() ({
      %run_scoped3A = tpu.sem_alloc : memref<!tpu.dma_semaphore, #tpu.memory_space<semaphore_mem>>
      %dma_start3A_163 = tpu.memref_slice %arg3[%add3A_54] : memref<32768xi32, #tpu.memory_space<hbm>> -> memref<128xi32, #tpu.memory_space<hbm>>
      %dma_start3A_164 = tpu.memref_slice %arg3[%add3A_54] : memref<32768xi32, #tpu.memory_space<hbm>> -> memref<128xi32, #tpu.memory_space<hbm>>
      tpu.enqueue_dma source(%dma_start3A_164 : memref<128xi32, #tpu.memory_space<hbm>>) target(%arg6 : memref<128xi32, #tpu.memory_space<vmem>>) target_semaphore(%run_scoped3A : memref<!tpu.dma_semaphore, #tpu.memory_space<semaphore_mem>>)
      %dma_wait3A_165 = tpu.memref_slice %arg3[%add3A_54] : memref<32768xi32, #tpu.memory_space<hbm>> -> memref<128xi32, #tpu.memory_space<hbm>>
      %dma_wait3A_166 = tpu.memref_slice %arg3[%add3A_54] : memref<32768xi32, #tpu.memory_space<hbm>> -> memref<128xi32, #tpu.memory_space<hbm>>
      tpu.wait_dma2 semaphore(%run_scoped3A : memref<!tpu.dma_semaphore, #tpu.memory_space<semaphore_mem>>) src(%dma_wait3A_166 : memref<128xi32, #tpu.memory_space<hbm>>) dst(%arg6 : memref<128xi32, #tpu.memory_space<vmem>>)
      tpu.yield
    }) : () -> ()
    %dma_start3A_55 = arith.constant 0 : i32
    %dma_start3A_56 = arith.constant 0 : i32
    %dma_start3A_57 = tpu.memref_slice %arg2[%dma_start3A_55, %dma_start3A_56] : memref<8320x256xf32, #tpu.memory_space<hbm>> -> memref<8320x256xf32, #tpu.memory_space<hbm>>
    tpu.enqueue_indirect_dma source(%dma_start3A_57 : memref<8320x256xf32, #tpu.memory_space<hbm>>) target(%arg9 : memref<128x256xf32, #tpu.memory_space<vmem>>) offsets(%arg6 : memref<128xi32, #tpu.memory_space<vmem>>) semaphore(%arg12 : memref<!tpu.dma_semaphore, #tpu.memory_space<semaphore_mem>>)
    %add3A_58 = arith.constant 256 : i32
    %add3A_59 = arith.addi %mul3A_4, %add3A_58 : i32
    %dma_wait3A_60 = arith.constant 0 : i32
    %dma_wait3A_61 = arith.constant 0 : i32
    %dma_wait3A_62 = tpu.memref_slice %arg2[%dma_wait3A_60, %dma_wait3A_61] : memref<8320x256xf32, #tpu.memory_space<hbm>> -> memref<8320x256xf32, #tpu.memory_space<hbm>>
    tpu.wait_indirect_dma semaphore(%arg13 : memref<!tpu.dma_semaphore, #tpu.memory_space<semaphore_mem>>) src(%dma_wait3A_62 : memref<8320x256xf32, #tpu.memory_space<hbm>>) dst(%arg10 : memref<128x256xf32, #tpu.memory_space<vmem>>)
    %dma_start3A_63 = arith.constant 0 : i32
    %dma_start3A_64 = tpu.memref_slice %arg4[%add3A_59, %dma_start3A_63] : memref<32768x256xf32, #tpu.memory_space<hbm>> -> memref<128x256xf32, #tpu.memory_space<hbm>>
    %dma_start3A_65 = arith.constant 0 : i32
    %dma_start3A_66 = tpu.memref_slice %arg4[%add3A_59, %dma_start3A_65] : memref<32768x256xf32, #tpu.memory_space<hbm>> -> memref<128x256xf32, #tpu.memory_space<hbm>>
    tpu.enqueue_dma source(%arg10 : memref<128x256xf32, #tpu.memory_space<vmem>>) target(%dma_start3A_66 : memref<128x256xf32, #tpu.memory_space<hbm>>) target_semaphore(%arg16 : memref<!tpu.dma_semaphore, #tpu.memory_space<semaphore_mem>>)
    %add3A_67 = arith.constant 256 : i32
    %add3A_68 = arith.addi %mul3A_4, %add3A_67 : i32
    %dma_wait3A_69 = arith.constant 0 : i32
    %dma_wait3A_70 = tpu.memref_slice %arg4[%add3A_68, %dma_wait3A_69] : memref<32768x256xf32, #tpu.memory_space<hbm>> -> memref<128x256xf32, #tpu.memory_space<hbm>>
    %dma_wait3A_71 = arith.constant 0 : i32
    %dma_wait3A_72 = tpu.memref_slice %arg4[%add3A_68, %dma_wait3A_71] : memref<32768x256xf32, #tpu.memory_space<hbm>> -> memref<128x256xf32, #tpu.memory_space<hbm>>
    tpu.wait_dma2 semaphore(%arg16 : memref<!tpu.dma_semaphore, #tpu.memory_space<semaphore_mem>>) src(%arg10 : memref<128x256xf32, #tpu.memory_space<vmem>>) dst(%dma_wait3A_72 : memref<128x256xf32, #tpu.memory_space<hbm>>)
    %add3A_73 = arith.constant 640 : i32
    %add3A_74 = arith.addi %mul3A_4, %add3A_73 : i32
    "tpu.region"() ({
      %run_scoped3A = tpu.sem_alloc : memref<!tpu.dma_semaphore, #tpu.memory_space<semaphore_mem>>
      %dma_start3A_163 = tpu.memref_slice %arg3[%add3A_74] : memref<32768xi32, #tpu.memory_space<hbm>> -> memref<128xi32, #tpu.memory_space<hbm>>
      %dma_start3A_164 = tpu.memref_slice %arg3[%add3A_74] : memref<32768xi32, #tpu.memory_space<hbm>> -> memref<128xi32, #tpu.memory_space<hbm>>
      tpu.enqueue_dma source(%dma_start3A_164 : memref<128xi32, #tpu.memory_space<hbm>>) target(%arg7 : memref<128xi32, #tpu.memory_space<vmem>>) target_semaphore(%run_scoped3A : memref<!tpu.dma_semaphore, #tpu.memory_space<semaphore_mem>>)
      %dma_wait3A_165 = tpu.memref_slice %arg3[%add3A_74] : memref<32768xi32, #tpu.memory_space<hbm>> -> memref<128xi32, #tpu.memory_space<hbm>>
      %dma_wait3A_166 = tpu.memref_slice %arg3[%add3A_74] : memref<32768xi32, #tpu.memory_space<hbm>> -> memref<128xi32, #tpu.memory_space<hbm>>
      tpu.wait_dma2 semaphore(%run_scoped3A : memref<!tpu.dma_semaphore, #tpu.memory_space<semaphore_mem>>) src(%dma_wait3A_166 : memref<128xi32, #tpu.memory_space<hbm>>) dst(%arg7 : memref<128xi32, #tpu.memory_space<vmem>>)
      tpu.yield
    }) : () -> ()
    %dma_start3A_75 = arith.constant 0 : i32
    %dma_start3A_76 = arith.constant 0 : i32
    %dma_start3A_77 = tpu.memref_slice %arg2[%dma_start3A_75, %dma_start3A_76] : memref<8320x256xf32, #tpu.memory_space<hbm>> -> memref<8320x256xf32, #tpu.memory_space<hbm>>
    tpu.enqueue_indirect_dma source(%dma_start3A_77 : memref<8320x256xf32, #tpu.memory_space<hbm>>) target(%arg10 : memref<128x256xf32, #tpu.memory_space<vmem>>) offsets(%arg7 : memref<128xi32, #tpu.memory_space<vmem>>) semaphore(%arg13 : memref<!tpu.dma_semaphore, #tpu.memory_space<semaphore_mem>>)
    %add3A_78 = arith.constant 384 : i32
    %add3A_79 = arith.addi %mul3A_4, %add3A_78 : i32
    %dma_wait3A_80 = arith.constant 0 : i32
    %dma_wait3A_81 = arith.constant 0 : i32
    %dma_wait3A_82 = tpu.memref_slice %arg2[%dma_wait3A_80, %dma_wait3A_81] : memref<8320x256xf32, #tpu.memory_space<hbm>> -> memref<8320x256xf32, #tpu.memory_space<hbm>>
    tpu.wait_indirect_dma semaphore(%arg11 : memref<!tpu.dma_semaphore, #tpu.memory_space<semaphore_mem>>) src(%dma_wait3A_82 : memref<8320x256xf32, #tpu.memory_space<hbm>>) dst(%arg8 : memref<128x256xf32, #tpu.memory_space<vmem>>)
    %dma_start3A_83 = arith.constant 0 : i32
    %dma_start3A_84 = tpu.memref_slice %arg4[%add3A_79, %dma_start3A_83] : memref<32768x256xf32, #tpu.memory_space<hbm>> -> memref<128x256xf32, #tpu.memory_space<hbm>>
    %dma_start3A_85 = arith.constant 0 : i32
    %dma_start3A_86 = tpu.memref_slice %arg4[%add3A_79, %dma_start3A_85] : memref<32768x256xf32, #tpu.memory_space<hbm>> -> memref<128x256xf32, #tpu.memory_space<hbm>>
    tpu.enqueue_dma source(%arg8 : memref<128x256xf32, #tpu.memory_space<vmem>>) target(%dma_start3A_86 : memref<128x256xf32, #tpu.memory_space<hbm>>) target_semaphore(%arg14 : memref<!tpu.dma_semaphore, #tpu.memory_space<semaphore_mem>>)
    %add3A_87 = arith.constant 384 : i32
    %add3A_88 = arith.addi %mul3A_4, %add3A_87 : i32
    %dma_wait3A_89 = arith.constant 0 : i32
    %dma_wait3A_90 = tpu.memref_slice %arg4[%add3A_88, %dma_wait3A_89] : memref<32768x256xf32, #tpu.memory_space<hbm>> -> memref<128x256xf32, #tpu.memory_space<hbm>>
    %dma_wait3A_91 = arith.constant 0 : i32
    %dma_wait3A_92 = tpu.memref_slice %arg4[%add3A_88, %dma_wait3A_91] : memref<32768x256xf32, #tpu.memory_space<hbm>> -> memref<128x256xf32, #tpu.memory_space<hbm>>
    tpu.wait_dma2 semaphore(%arg14 : memref<!tpu.dma_semaphore, #tpu.memory_space<semaphore_mem>>) src(%arg8 : memref<128x256xf32, #tpu.memory_space<vmem>>) dst(%dma_wait3A_92 : memref<128x256xf32, #tpu.memory_space<hbm>>)
    %add3A_93 = arith.constant 768 : i32
    %add3A_94 = arith.addi %mul3A_4, %add3A_93 : i32
    "tpu.region"() ({
      %run_scoped3A = tpu.sem_alloc : memref<!tpu.dma_semaphore, #tpu.memory_space<semaphore_mem>>
      %dma_start3A_163 = tpu.memref_slice %arg3[%add3A_94] : memref<32768xi32, #tpu.memory_space<hbm>> -> memref<128xi32, #tpu.memory_space<hbm>>
      %dma_start3A_164 = tpu.memref_slice %arg3[%add3A_94] : memref<32768xi32, #tpu.memory_space<hbm>> -> memref<128xi32, #tpu.memory_space<hbm>>
      tpu.enqueue_dma source(%dma_start3A_164 : memref<128xi32, #tpu.memory_space<hbm>>) target(%arg5 : memref<128xi32, #tpu.memory_space<vmem>>) target_semaphore(%run_scoped3A : memref<!tpu.dma_semaphore, #tpu.memory_space<semaphore_mem>>)
      %dma_wait3A_165 = tpu.memref_slice %arg3[%add3A_94] : memref<32768xi32, #tpu.memory_space<hbm>> -> memref<128xi32, #tpu.memory_space<hbm>>
      %dma_wait3A_166 = tpu.memref_slice %arg3[%add3A_94] : memref<32768xi32, #tpu.memory_space<hbm>> -> memref<128xi32, #tpu.memory_space<hbm>>
      tpu.wait_dma2 semaphore(%run_scoped3A : memref<!tpu.dma_semaphore, #tpu.memory_space<semaphore_mem>>) src(%dma_wait3A_166 : memref<128xi32, #tpu.memory_space<hbm>>) dst(%arg5 : memref<128xi32, #tpu.memory_space<vmem>>)
      tpu.yield
    }) : () -> ()
    %dma_start3A_95 = arith.constant 0 : i32
    %dma_start3A_96 = arith.constant 0 : i32
    %dma_start3A_97 = tpu.memref_slice %arg2[%dma_start3A_95, %dma_start3A_96] : memref<8320x256xf32, #tpu.memory_space<hbm>> -> memref<8320x256xf32, #tpu.memory_space<hbm>>
    tpu.enqueue_indirect_dma source(%dma_start3A_97 : memref<8320x256xf32, #tpu.memory_space<hbm>>) target(%arg8 : memref<128x256xf32, #tpu.memory_space<vmem>>) offsets(%arg5 : memref<128xi32, #tpu.memory_space<vmem>>) semaphore(%arg11 : memref<!tpu.dma_semaphore, #tpu.memory_space<semaphore_mem>>)
    %add3A_98 = arith.constant 512 : i32
    %add3A_99 = arith.addi %mul3A_4, %add3A_98 : i32
    %dma_wait3A_100 = arith.constant 0 : i32
    %dma_wait3A_101 = arith.constant 0 : i32
    %dma_wait3A_102 = tpu.memref_slice %arg2[%dma_wait3A_100, %dma_wait3A_101] : memref<8320x256xf32, #tpu.memory_space<hbm>> -> memref<8320x256xf32, #tpu.memory_space<hbm>>
    tpu.wait_indirect_dma semaphore(%arg12 : memref<!tpu.dma_semaphore, #tpu.memory_space<semaphore_mem>>) src(%dma_wait3A_102 : memref<8320x256xf32, #tpu.memory_space<hbm>>) dst(%arg9 : memref<128x256xf32, #tpu.memory_space<vmem>>)
    %dma_start3A_103 = arith.constant 0 : i32
    %dma_start3A_104 = tpu.memref_slice %arg4[%add3A_99, %dma_start3A_103] : memref<32768x256xf32, #tpu.memory_space<hbm>> -> memref<128x256xf32, #tpu.memory_space<hbm>>
    %dma_start3A_105 = arith.constant 0 : i32
    %dma_start3A_106 = tpu.memref_slice %arg4[%add3A_99, %dma_start3A_105] : memref<32768x256xf32, #tpu.memory_space<hbm>> -> memref<128x256xf32, #tpu.memory_space<hbm>>
    tpu.enqueue_dma source(%arg9 : memref<128x256xf32, #tpu.memory_space<vmem>>) target(%dma_start3A_106 : memref<128x256xf32, #tpu.memory_space<hbm>>) target_semaphore(%arg15 : memref<!tpu.dma_semaphore, #tpu.memory_space<semaphore_mem>>)
    %add3A_107 = arith.constant 512 : i32
    %add3A_108 = arith.addi %mul3A_4, %add3A_107 : i32
    %dma_wait3A_109 = arith.constant 0 : i32
    %dma_wait3A_110 = tpu.memref_slice %arg4[%add3A_108, %dma_wait3A_109] : memref<32768x256xf32, #tpu.memory_space<hbm>> -> memref<128x256xf32, #tpu.memory_space<hbm>>
    %dma_wait3A_111 = arith.constant 0 : i32
    %dma_wait3A_112 = tpu.memref_slice %arg4[%add3A_108, %dma_wait3A_111] : memref<32768x256xf32, #tpu.memory_space<hbm>> -> memref<128x256xf32, #tpu.memory_space<hbm>>
    tpu.wait_dma2 semaphore(%arg15 : memref<!tpu.dma_semaphore, #tpu.memory_space<semaphore_mem>>) src(%arg9 : memref<128x256xf32, #tpu.memory_space<vmem>>) dst(%dma_wait3A_112 : memref<128x256xf32, #tpu.memory_space<hbm>>)
    %add3A_113 = arith.constant 896 : i32
    %add3A_114 = arith.addi %mul3A_4, %add3A_113 : i32
    "tpu.region"() ({
      %run_scoped3A = tpu.sem_alloc : memref<!tpu.dma_semaphore, #tpu.memory_space<semaphore_mem>>
      %dma_start3A_163 = tpu.memref_slice %arg3[%add3A_114] : memref<32768xi32, #tpu.memory_space<hbm>> -> memref<128xi32, #tpu.memory_space<hbm>>
      %dma_start3A_164 = tpu.memref_slice %arg3[%add3A_114] : memref<32768xi32, #tpu.memory_space<hbm>> -> memref<128xi32, #tpu.memory_space<hbm>>
      tpu.enqueue_dma source(%dma_start3A_164 : memref<128xi32, #tpu.memory_space<hbm>>) target(%arg6 : memref<128xi32, #tpu.memory_space<vmem>>) target_semaphore(%run_scoped3A : memref<!tpu.dma_semaphore, #tpu.memory_space<semaphore_mem>>)
      %dma_wait3A_165 = tpu.memref_slice %arg3[%add3A_114] : memref<32768xi32, #tpu.memory_space<hbm>> -> memref<128xi32, #tpu.memory_space<hbm>>
      %dma_wait3A_166 = tpu.memref_slice %arg3[%add3A_114] : memref<32768xi32, #tpu.memory_space<hbm>> -> memref<128xi32, #tpu.memory_space<hbm>>
      tpu.wait_dma2 semaphore(%run_scoped3A : memref<!tpu.dma_semaphore, #tpu.memory_space<semaphore_mem>>) src(%dma_wait3A_166 : memref<128xi32, #tpu.memory_space<hbm>>) dst(%arg6 : memref<128xi32, #tpu.memory_space<vmem>>)
      tpu.yield
    }) : () -> ()
    %dma_start3A_115 = arith.constant 0 : i32
    %dma_start3A_116 = arith.constant 0 : i32
    %dma_start3A_117 = tpu.memref_slice %arg2[%dma_start3A_115, %dma_start3A_116] : memref<8320x256xf32, #tpu.memory_space<hbm>> -> memref<8320x256xf32, #tpu.memory_space<hbm>>
    tpu.enqueue_indirect_dma source(%dma_start3A_117 : memref<8320x256xf32, #tpu.memory_space<hbm>>) target(%arg9 : memref<128x256xf32, #tpu.memory_space<vmem>>) offsets(%arg6 : memref<128xi32, #tpu.memory_space<vmem>>) semaphore(%arg12 : memref<!tpu.dma_semaphore, #tpu.memory_space<semaphore_mem>>)
    %add3A_118 = arith.constant 640 : i32
    %add3A_119 = arith.addi %mul3A_4, %add3A_118 : i32
    %dma_wait3A_120 = arith.constant 0 : i32
    %dma_wait3A_121 = arith.constant 0 : i32
    %dma_wait3A_122 = tpu.memref_slice %arg2[%dma_wait3A_120, %dma_wait3A_121] : memref<8320x256xf32, #tpu.memory_space<hbm>> -> memref<8320x256xf32, #tpu.memory_space<hbm>>
    tpu.wait_indirect_dma semaphore(%arg13 : memref<!tpu.dma_semaphore, #tpu.memory_space<semaphore_mem>>) src(%dma_wait3A_122 : memref<8320x256xf32, #tpu.memory_space<hbm>>) dst(%arg10 : memref<128x256xf32, #tpu.memory_space<vmem>>)
    %dma_start3A_123 = arith.constant 0 : i32
    %dma_start3A_124 = tpu.memref_slice %arg4[%add3A_119, %dma_start3A_123] : memref<32768x256xf32, #tpu.memory_space<hbm>> -> memref<128x256xf32, #tpu.memory_space<hbm>>
    %dma_start3A_125 = arith.constant 0 : i32
    %dma_start3A_126 = tpu.memref_slice %arg4[%add3A_119, %dma_start3A_125] : memref<32768x256xf32, #tpu.memory_space<hbm>> -> memref<128x256xf32, #tpu.memory_space<hbm>>
    tpu.enqueue_dma source(%arg10 : memref<128x256xf32, #tpu.memory_space<vmem>>) target(%dma_start3A_126 : memref<128x256xf32, #tpu.memory_space<hbm>>) target_semaphore(%arg16 : memref<!tpu.dma_semaphore, #tpu.memory_space<semaphore_mem>>)
    %add3A_127 = arith.constant 768 : i32
    %add3A_128 = arith.addi %mul3A_4, %add3A_127 : i32
    %dma_wait3A_129 = arith.constant 0 : i32
    %dma_wait3A_130 = arith.constant 0 : i32
    %dma_wait3A_131 = tpu.memref_slice %arg2[%dma_wait3A_129, %dma_wait3A_130] : memref<8320x256xf32, #tpu.memory_space<hbm>> -> memref<8320x256xf32, #tpu.memory_space<hbm>>
    tpu.wait_indirect_dma semaphore(%arg11 : memref<!tpu.dma_semaphore, #tpu.memory_space<semaphore_mem>>) src(%dma_wait3A_131 : memref<8320x256xf32, #tpu.memory_space<hbm>>) dst(%arg8 : memref<128x256xf32, #tpu.memory_space<vmem>>)
    %dma_start3A_132 = arith.constant 0 : i32
    %dma_start3A_133 = tpu.memref_slice %arg4[%add3A_128, %dma_start3A_132] : memref<32768x256xf32, #tpu.memory_space<hbm>> -> memref<128x256xf32, #tpu.memory_space<hbm>>
    %dma_start3A_134 = arith.constant 0 : i32
    %dma_start3A_135 = tpu.memref_slice %arg4[%add3A_128, %dma_start3A_134] : memref<32768x256xf32, #tpu.memory_space<hbm>> -> memref<128x256xf32, #tpu.memory_space<hbm>>
    tpu.enqueue_dma source(%arg8 : memref<128x256xf32, #tpu.memory_space<vmem>>) target(%dma_start3A_135 : memref<128x256xf32, #tpu.memory_space<hbm>>) target_semaphore(%arg14 : memref<!tpu.dma_semaphore, #tpu.memory_space<semaphore_mem>>)
    %add3A_136 = arith.constant 896 : i32
    %add3A_137 = arith.addi %mul3A_4, %add3A_136 : i32
    %dma_wait3A_138 = arith.constant 0 : i32
    %dma_wait3A_139 = arith.constant 0 : i32
    %dma_wait3A_140 = tpu.memref_slice %arg2[%dma_wait3A_138, %dma_wait3A_139] : memref<8320x256xf32, #tpu.memory_space<hbm>> -> memref<8320x256xf32, #tpu.memory_space<hbm>>
    tpu.wait_indirect_dma semaphore(%arg12 : memref<!tpu.dma_semaphore, #tpu.memory_space<semaphore_mem>>) src(%dma_wait3A_140 : memref<8320x256xf32, #tpu.memory_space<hbm>>) dst(%arg9 : memref<128x256xf32, #tpu.memory_space<vmem>>)
    %dma_start3A_141 = arith.constant 0 : i32
    %dma_start3A_142 = tpu.memref_slice %arg4[%add3A_137, %dma_start3A_141] : memref<32768x256xf32, #tpu.memory_space<hbm>> -> memref<128x256xf32, #tpu.memory_space<hbm>>
    %dma_start3A_143 = arith.constant 0 : i32
    %dma_start3A_144 = tpu.memref_slice %arg4[%add3A_137, %dma_start3A_143] : memref<32768x256xf32, #tpu.memory_space<hbm>> -> memref<128x256xf32, #tpu.memory_space<hbm>>
    tpu.enqueue_dma source(%arg9 : memref<128x256xf32, #tpu.memory_space<vmem>>) target(%dma_start3A_144 : memref<128x256xf32, #tpu.memory_space<hbm>>) target_semaphore(%arg15 : memref<!tpu.dma_semaphore, #tpu.memory_space<semaphore_mem>>)
    %add3A_145 = arith.constant 640 : i32
    %add3A_146 = arith.addi %mul3A_4, %add3A_145 : i32
    %dma_wait3A_147 = arith.constant 0 : i32
    %dma_wait3A_148 = tpu.memref_slice %arg4[%add3A_146, %dma_wait3A_147] : memref<32768x256xf32, #tpu.memory_space<hbm>> -> memref<128x256xf32, #tpu.memory_space<hbm>>
    %dma_wait3A_149 = arith.constant 0 : i32
    %dma_wait3A_150 = tpu.memref_slice %arg4[%add3A_146, %dma_wait3A_149] : memref<32768x256xf32, #tpu.memory_space<hbm>> -> memref<128x256xf32, #tpu.memory_space<hbm>>
    tpu.wait_dma2 semaphore(%arg16 : memref<!tpu.dma_semaphore, #tpu.memory_space<semaphore_mem>>) src(%arg10 : memref<128x256xf32, #tpu.memory_space<vmem>>) dst(%dma_wait3A_150 : memref<128x256xf32, #tpu.memory_space<hbm>>)
    %add3A_151 = arith.constant 768 : i32
    %add3A_152 = arith.addi %mul3A_4, %add3A_151 : i32
    %dma_wait3A_153 = arith.constant 0 : i32
    %dma_wait3A_154 = tpu.memref_slice %arg4[%add3A_152, %dma_wait3A_153] : memref<32768x256xf32, #tpu.memory_space<hbm>> -> memref<128x256xf32, #tpu.memory_space<hbm>>
    %dma_wait3A_155 = arith.constant 0 : i32
    %dma_wait3A_156 = tpu.memref_slice %arg4[%add3A_152, %dma_wait3A_155] : memref<32768x256xf32, #tpu.memory_space<hbm>> -> memref<128x256xf32, #tpu.memory_space<hbm>>
    tpu.wait_dma2 semaphore(%arg14 : memref<!tpu.dma_semaphore, #tpu.memory_space<semaphore_mem>>) src(%arg8 : memref<128x256xf32, #tpu.memory_space<vmem>>) dst(%dma_wait3A_156 : memref<128x256xf32, #tpu.memory_space<hbm>>)
    %add3A_157 = arith.constant 896 : i32
    %add3A_158 = arith.addi %mul3A_4, %add3A_157 : i32
    %dma_wait3A_159 = arith.constant 0 : i32
    %dma_wait3A_160 = tpu.memref_slice %arg4[%add3A_158, %dma_wait3A_159] : memref<32768x256xf32, #tpu.memory_space<hbm>> -> memref<128x256xf32, #tpu.memory_space<hbm>>
    %dma_wait3A_161 = arith.constant 0 : i32
    %dma_wait3A_162 = tpu.memref_slice %arg4[%add3A_158, %dma_wait3A_161] : memref<32768x256xf32, #tpu.memory_space<hbm>> -> memref<128x256xf32, #tpu.memory_space<hbm>>
    tpu.wait_dma2 semaphore(%arg15 : memref<!tpu.dma_semaphore, #tpu.memory_space<semaphore_mem>>) src(%arg9 : memref<128x256xf32, #tpu.memory_space<vmem>>) dst(%dma_wait3A_162 : memref<128x256xf32, #tpu.memory_space<hbm>>)
    return
  }
}

module attributes {stable_mosaic.version = 14 : i64} {
  func.func @_stage_a_body(%arg0: i32, %arg1: memref<1x512x256xf32, #tpu.memory_space<vmem>>, %arg2: memref<3x256x256xf32, #tpu.memory_space<vmem>>, %arg3: memref<1x256xf32, #tpu.memory_space<vmem>>, %arg4: memref<1x256xf32, #tpu.memory_space<vmem>>, %arg5: memref<1x256xf32, #tpu.memory_space<vmem>>, %arg6: memref<3x256x256xf32, #tpu.memory_space<vmem>>, %arg7: memref<1x256xf32, #tpu.memory_space<vmem>>, %arg8: memref<1x256xf32, #tpu.memory_space<vmem>>, %arg9: memref<1x256xf32, #tpu.memory_space<vmem>>, %arg10: memref<256x1xf32, #tpu.memory_space<vmem>>, %arg11: memref<1x1xf32, #tpu.memory_space<vmem>>, %arg12: memref<1x1x512xf32, #tpu.memory_space<vmem>>, %arg13: memref<1x1x2048xi32, #tpu.memory_space<vmem>>, %arg14: memref<1x1x1xi32, #tpu.memory_space<vmem>>, %arg15: memref<520x256xf32, #tpu.memory_space<vmem>>) attributes {dimension_semantics = [#tpu.dimension_semantics<arbitrary>], iteration_bounds = array<i64: 16>, scalar_prefetch = 0 : i64, scratch_operands = 0 : i64, tpu.core_type = #tpu.core_type<tc>, window_params = [{transform_indices = @transform_0, window_bounds = array<i64: 1, 512, 256>}, {pipeline_mode = #tpu.pipeline_mode<synchronous>, transform_indices = @transform_1, window_bounds = array<i64: 3, 256, 256>}, {pipeline_mode = #tpu.pipeline_mode<synchronous>, transform_indices = @transform_2, window_bounds = array<i64: 1, 256>}, {pipeline_mode = #tpu.pipeline_mode<synchronous>, transform_indices = @transform_3, window_bounds = array<i64: 1, 256>}, {pipeline_mode = #tpu.pipeline_mode<synchronous>, transform_indices = @transform_4, window_bounds = array<i64: 1, 256>}, {pipeline_mode = #tpu.pipeline_mode<synchronous>, transform_indices = @transform_5, window_bounds = array<i64: 3, 256, 256>}, {pipeline_mode = #tpu.pipeline_mode<synchronous>, transform_indices = @transform_6, window_bounds = array<i64: 1, 256>}, {pipeline_mode = #tpu.pipeline_mode<synchronous>, transform_indices = @transform_7, window_bounds = array<i64: 1, 256>}, {pipeline_mode = #tpu.pipeline_mode<synchronous>, transform_indices = @transform_8, window_bounds = array<i64: 1, 256>}, {pipeline_mode = #tpu.pipeline_mode<synchronous>, transform_indices = @transform_9, window_bounds = array<i64: 256, 1>}, {pipeline_mode = #tpu.pipeline_mode<synchronous>, transform_indices = @transform_10, window_bounds = array<i64: 1, 1>}, {transform_indices = @transform_11, window_bounds = array<i64: 1, 1, 512>}, {transform_indices = @transform_12, window_bounds = array<i64: 1, 1, 2048>}, {transform_indices = @transform_13, window_bounds = array<i64: 1, 1, 1>}, {transform_indices = @transform_14, window_bounds = array<i64: 520, 256>}]} {
    %get3A = arith.constant 0 : index
    %get3A_0 = arith.constant 0 : index
    %get3A_1 = arith.constant 0 : index
    %get3A_2 = vector.load %arg1[%get3A, %get3A_0, %get3A_1] : memref<1x512x256xf32, #tpu.memory_space<vmem>>, vector<1x512x256xf32>
    %get3A_3 = vector.shape_cast %get3A_2 : vector<1x512x256xf32> to vector<512x256xf32>
    %swap3A = arith.constant 0 : index
    %swap3A_4 = arith.constant 0 : index
    %swap3A_5 = vector.load %arg15[%swap3A, %swap3A_4] : memref<520x256xf32, #tpu.memory_space<vmem>>, vector<512x256xf32>
    tpu.vector_store %arg15[%swap3A, %swap3A_4], %get3A_3 {strides = array<i32>} : memref<520x256xf32, #tpu.memory_space<vmem>>, vector<512x256xf32>,
    %broadcast_in_dim3A = arith.constant 0.000000e+00 : f32
    %broadcast_in_dim3A_6 = vector.broadcast %broadcast_in_dim3A : f32 to vector<8x256xf32>
    %swap3A_7 = arith.constant 512 : index
    %swap3A_8 = arith.constant 0 : index
    %swap3A_9 = vector.load %arg15[%swap3A_7, %swap3A_8] : memref<520x256xf32, #tpu.memory_space<vmem>>, vector<8x256xf32>
    tpu.vector_store %arg15[%swap3A_7, %swap3A_8], %broadcast_in_dim3A_6 {strides = array<i32>} : memref<520x256xf32, #tpu.memory_space<vmem>>, vector<8x256xf32>,
    %broadcast_in_dim3A_10 = arith.constant 0.000000e+00 : f32
    %broadcast_in_dim3A_11 = vector.broadcast %broadcast_in_dim3A_10 : f32 to vector<1x256xf32>
    %slice3A = vector.extract_strided_slice %get3A_3 {offsets = [0, 0], sizes = [511, 256], strides = [1, 1]} : vector<512x256xf32> to vector<511x256xf32>
    %concatenate3A = tpu.concatenate %broadcast_in_dim3A_11, %slice3A in 0 : vector<1x256xf32>, vector<511x256xf32> -> vector<512x256xf32>
    %get3A_12 = arith.constant 0 : index
    %get3A_13 = arith.constant 0 : index
    %get3A_14 = arith.constant 0 : index
    %get3A_15 = vector.load %arg2[%get3A_12, %get3A_13, %get3A_14] : memref<3x256x256xf32, #tpu.memory_space<vmem>>, vector<1x256x256xf32>
    %get3A_16 = vector.shape_cast %get3A_15 : vector<1x256x256xf32> to vector<256x256xf32>
    %dot_general3A = arith.constant dense<0.000000e+00> : vector<512x256xf32>
    %dot_general3A_17 = tpu.matmul %concatenate3A, %get3A_16, %dot_general3A {dimension_numbers = #tpu.dot_dimension_numbers<[1], [0], [0], [1], [0, 0, 1, 1], [], []>, transpose_lhs_hint = false} : vector<512x256xf32>, vector<256x256xf32>, vector<512x256xf32> -> vector<512x256xf32>
    %get3A_18 = arith.constant 1 : index
    %get3A_19 = arith.constant 0 : index
    %get3A_20 = arith.constant 0 : index
    %get3A_21 = vector.load %arg2[%get3A_18, %get3A_19, %get3A_20] : memref<3x256x256xf32, #tpu.memory_space<vmem>>, vector<1x256x256xf32>
    %get3A_22 = vector.shape_cast %get3A_21 : vector<1x256x256xf32> to vector<256x256xf32>
    %dot_general3A_23 = arith.constant dense<0.000000e+00> : vector<512x256xf32>
    %dot_general3A_24 = tpu.matmul %get3A_3, %get3A_22, %dot_general3A_23 {dimension_numbers = #tpu.dot_dimension_numbers<[1], [0], [0], [1], [0, 0, 1, 1], [], []>, transpose_lhs_hint = false} : vector<512x256xf32>, vector<256x256xf32>, vector<512x256xf32> -> vector<512x256xf32>
    %add3A = arith.addf %dot_general3A_17, %dot_general3A_24 : vector<512x256xf32>
    %broadcast_in_dim3A_25 = arith.constant 0.000000e+00 : f32
    %broadcast_in_dim3A_26 = vector.broadcast %broadcast_in_dim3A_25 : f32 to vector<1x256xf32>
    %slice3A_27 = vector.extract_strided_slice %get3A_3 {offsets = [1, 0], sizes = [511, 256], strides = [1, 1]} : vector<512x256xf32> to vector<511x256xf32>
    %concatenate3A_28 = tpu.concatenate %slice3A_27, %broadcast_in_dim3A_26 in 0 : vector<511x256xf32>, vector<1x256xf32> -> vector<512x256xf32>
    %get3A_29 = arith.constant 2 : index
    %get3A_30 = arith.constant 0 : index
    %get3A_31 = arith.constant 0 : index
    %get3A_32 = vector.load %arg2[%get3A_29, %get3A_30, %get3A_31] : memref<3x256x256xf32, #tpu.memory_space<vmem>>, vector<1x256x256xf32>
    %get3A_33 = vector.shape_cast %get3A_32 : vector<1x256x256xf32> to vector<256x256xf32>
    %dot_general3A_34 = arith.constant dense<0.000000e+00> : vector<512x256xf32>
    %dot_general3A_35 = tpu.matmul %concatenate3A_28, %get3A_33, %dot_general3A_34 {dimension_numbers = #tpu.dot_dimension_numbers<[1], [0], [0], [1], [0, 0, 1, 1], [], []>, transpose_lhs_hint = false} : vector<512x256xf32>, vector<256x256xf32>, vector<512x256xf32> -> vector<512x256xf32>
    %add3A_36 = arith.addf %add3A, %dot_general3A_35 : vector<512x256xf32>
    %get3A_37 = arith.constant 0 : index
    %get3A_38 = arith.constant 0 : index
    %get3A_39 = vector.load %arg3[%get3A_37, %get3A_38] : memref<1x256xf32, #tpu.memory_space<vmem>>, vector<1x256xf32>
    %get3A_40 = vector.shape_cast %get3A_39 : vector<1x256xf32> to vector<256xf32>
    %broadcast_in_dim3A_41 = vector.shape_cast %get3A_40 : vector<256xf32> to vector<1x256xf32>
    %add3A_42 = vector.broadcast %broadcast_in_dim3A_41 : vector<1x256xf32> to vector<512x256xf32>
    %add3A_43 = arith.addf %add3A_36, %add3A_42 : vector<512x256xf32>
    %max3A = arith.constant 0.000000e+00 : f32
    %max3A_44 = vector.broadcast %max3A : f32 to vector<512x256xf32>
    %max3A_45 = arith.maximumf %add3A_43, %max3A_44 : vector<512x256xf32>
    %get3A_46 = arith.constant 0 : index
    %get3A_47 = arith.constant 0 : index
    %get3A_48 = vector.load %arg4[%get3A_46, %get3A_47] : memref<1x256xf32, #tpu.memory_space<vmem>>, vector<1x256xf32>
    %get3A_49 = vector.shape_cast %get3A_48 : vector<1x256xf32> to vector<256xf32>
    %get3A_50 = arith.constant 0 : index
    %get3A_51 = arith.constant 0 : index
    %get3A_52 = vector.load %arg5[%get3A_50, %get3A_51] : memref<1x256xf32, #tpu.memory_space<vmem>>, vector<1x256xf32>
    %get3A_53 = vector.shape_cast %get3A_52 : vector<1x256xf32> to vector<256xf32>
    %reduce_sum3A = arith.constant dense<0.000000e+00> : vector<512xf32>
    %reduce_sum3A_54 = vector.multi_reduction <add>, %max3A_45, %reduce_sum3A [1] : vector<512x256xf32> to vector<512xf32>
    %broadcast_in_dim3A_55 = vector.shape_cast %reduce_sum3A_54 : vector<512xf32> to vector<512x1xf32>
    %div3A = arith.constant 2.560000e+02 : f32
    %div3A_56 = vector.broadcast %div3A : f32 to vector<512x1xf32>
    %div3A_57 = arith.divf %broadcast_in_dim3A_55, %div3A_56 : vector<512x1xf32>
    %sub3A = vector.broadcast %div3A_57 : vector<512x1xf32> to vector<512x256xf32>
    %sub3A_58 = arith.subf %max3A_45, %sub3A : vector<512x256xf32>
    %mul3A = arith.mulf %sub3A_58, %sub3A_58 : vector<512x256xf32>
    %reduce_sum3A_59 = arith.constant dense<0.000000e+00> : vector<512xf32>
    %reduce_sum3A_60 = vector.multi_reduction <add>, %mul3A, %reduce_sum3A_59 [1] : vector<512x256xf32> to vector<512xf32>
    %broadcast_in_dim3A_61 = vector.shape_cast %reduce_sum3A_60 : vector<512xf32> to vector<512x1xf32>
    %div3A_62 = arith.constant 2.560000e+02 : f32
    %div3A_63 = vector.broadcast %div3A_62 : f32 to vector<512x1xf32>
    %div3A_64 = arith.divf %broadcast_in_dim3A_61, %div3A_63 : vector<512x1xf32>
    %add3A_65 = arith.constant 9.99999974E-6 : f32
    %add3A_66 = vector.broadcast %add3A_65 : f32 to vector<512x1xf32>
    %add3A_67 = arith.addf %div3A_64, %add3A_66 : vector<512x1xf32>
    %sqrt3A = math.sqrt %add3A_67 : vector<512x1xf32>
    %div3A_68 = vector.broadcast %sqrt3A : vector<512x1xf32> to vector<512x256xf32>
    %div3A_69 = arith.divf %sub3A_58, %div3A_68 : vector<512x256xf32>
    %broadcast_in_dim3A_70 = vector.shape_cast %get3A_49 : vector<256xf32> to vector<1x256xf32>
    %mul3A_71 = vector.broadcast %broadcast_in_dim3A_70 : vector<1x256xf32> to vector<512x256xf32>
    %mul3A_72 = arith.mulf %div3A_69, %mul3A_71 : vector<512x256xf32>
    %broadcast_in_dim3A_73 = vector.shape_cast %get3A_53 : vector<256xf32> to vector<1x256xf32>
    %add3A_74 = vector.broadcast %broadcast_in_dim3A_73 : vector<1x256xf32> to vector<512x256xf32>
    %add3A_75 = arith.addf %mul3A_72, %add3A_74 : vector<512x256xf32>
    %broadcast_in_dim3A_76 = arith.constant 0.000000e+00 : f32
    %broadcast_in_dim3A_77 = vector.broadcast %broadcast_in_dim3A_76 : f32 to vector<1x256xf32>
    %slice3A_78 = vector.extract_strided_slice %add3A_75 {offsets = [0, 0], sizes = [511, 256], strides = [1, 1]} : vector<512x256xf32> to vector<511x256xf32>
    %concatenate3A_79 = tpu.concatenate %broadcast_in_dim3A_77, %slice3A_78 in 0 : vector<1x256xf32>, vector<511x256xf32> -> vector<512x256xf32>
    %get3A_80 = arith.constant 0 : index
    %get3A_81 = arith.constant 0 : index
    %get3A_82 = arith.constant 0 : index
    %get3A_83 = vector.load %arg6[%get3A_80, %get3A_81, %get3A_82] : memref<3x256x256xf32, #tpu.memory_space<vmem>>, vector<1x256x256xf32>
    %get3A_84 = vector.shape_cast %get3A_83 : vector<1x256x256xf32> to vector<256x256xf32>
    %dot_general3A_85 = arith.constant dense<0.000000e+00> : vector<512x256xf32>
    %dot_general3A_86 = tpu.matmul %concatenate3A_79, %get3A_84, %dot_general3A_85 {dimension_numbers = #tpu.dot_dimension_numbers<[1], [0], [0], [1], [0, 0, 1, 1], [], []>, transpose_lhs_hint = false} : vector<512x256xf32>, vector<256x256xf32>, vector<512x256xf32> -> vector<512x256xf32>
    %get3A_87 = arith.constant 1 : index
    %get3A_88 = arith.constant 0 : index
    %get3A_89 = arith.constant 0 : index
    %get3A_90 = vector.load %arg6[%get3A_87, %get3A_88, %get3A_89] : memref<3x256x256xf32, #tpu.memory_space<vmem>>, vector<1x256x256xf32>
    %get3A_91 = vector.shape_cast %get3A_90 : vector<1x256x256xf32> to vector<256x256xf32>
    %dot_general3A_92 = arith.constant dense<0.000000e+00> : vector<512x256xf32>
    %dot_general3A_93 = tpu.matmul %add3A_75, %get3A_91, %dot_general3A_92 {dimension_numbers = #tpu.dot_dimension_numbers<[1], [0], [0], [1], [0, 0, 1, 1], [], []>, transpose_lhs_hint = false} : vector<512x256xf32>, vector<256x256xf32>, vector<512x256xf32> -> vector<512x256xf32>
    %add3A_94 = arith.addf %dot_general3A_86, %dot_general3A_93 : vector<512x256xf32>
    %broadcast_in_dim3A_95 = arith.constant 0.000000e+00 : f32
    %broadcast_in_dim3A_96 = vector.broadcast %broadcast_in_dim3A_95 : f32 to vector<1x256xf32>
    %slice3A_97 = vector.extract_strided_slice %add3A_75 {offsets = [1, 0], sizes = [511, 256], strides = [1, 1]} : vector<512x256xf32> to vector<511x256xf32>
    %concatenate3A_98 = tpu.concatenate %slice3A_97, %broadcast_in_dim3A_96 in 0 : vector<511x256xf32>, vector<1x256xf32> -> vector<512x256xf32>
    %get3A_99 = arith.constant 2 : index
    %get3A_100 = arith.constant 0 : index
    %get3A_101 = arith.constant 0 : index
    %get3A_102 = vector.load %arg6[%get3A_99, %get3A_100, %get3A_101] : memref<3x256x256xf32, #tpu.memory_space<vmem>>, vector<1x256x256xf32>
    %get3A_103 = vector.shape_cast %get3A_102 : vector<1x256x256xf32> to vector<256x256xf32>
    %dot_general3A_104 = arith.constant dense<0.000000e+00> : vector<512x256xf32>
    %dot_general3A_105 = tpu.matmul %concatenate3A_98, %get3A_103, %dot_general3A_104 {dimension_numbers = #tpu.dot_dimension_numbers<[1], [0], [0], [1], [0, 0, 1, 1], [], []>, transpose_lhs_hint = false} : vector<512x256xf32>, vector<256x256xf32>, vector<512x256xf32> -> vector<512x256xf32>
    %add3A_106 = arith.addf %add3A_94, %dot_general3A_105 : vector<512x256xf32>
    %get3A_107 = arith.constant 0 : index
    %get3A_108 = arith.constant 0 : index
    %get3A_109 = vector.load %arg7[%get3A_107, %get3A_108] : memref<1x256xf32, #tpu.memory_space<vmem>>, vector<1x256xf32>
    %get3A_110 = vector.shape_cast %get3A_109 : vector<1x256xf32> to vector<256xf32>
    %broadcast_in_dim3A_111 = vector.shape_cast %get3A_110 : vector<256xf32> to vector<1x256xf32>
    %add3A_112 = vector.broadcast %broadcast_in_dim3A_111 : vector<1x256xf32> to vector<512x256xf32>
    %add3A_113 = arith.addf %add3A_106, %add3A_112 : vector<512x256xf32>
    %max3A_114 = arith.constant 0.000000e+00 : f32
    %max3A_115 = vector.broadcast %max3A_114 : f32 to vector<512x256xf32>
    %max3A_116 = arith.maximumf %add3A_113, %max3A_115 : vector<512x256xf32>
    %get3A_117 = arith.constant 0 : index
    %get3A_118 = arith.constant 0 : index
    %get3A_119 = vector.load %arg8[%get3A_117, %get3A_118] : memref<1x256xf32, #tpu.memory_space<vmem>>, vector<1x256xf32>
    %get3A_120 = vector.shape_cast %get3A_119 : vector<1x256xf32> to vector<256xf32>
    %get3A_121 = arith.constant 0 : index
    %get3A_122 = arith.constant 0 : index
    %get3A_123 = vector.load %arg9[%get3A_121, %get3A_122] : memref<1x256xf32, #tpu.memory_space<vmem>>, vector<1x256xf32>
    %get3A_124 = vector.shape_cast %get3A_123 : vector<1x256xf32> to vector<256xf32>
    %reduce_sum3A_125 = arith.constant dense<0.000000e+00> : vector<512xf32>
    %reduce_sum3A_126 = vector.multi_reduction <add>, %max3A_116, %reduce_sum3A_125 [1] : vector<512x256xf32> to vector<512xf32>
    %broadcast_in_dim3A_127 = vector.shape_cast %reduce_sum3A_126 : vector<512xf32> to vector<512x1xf32>
    %div3A_128 = arith.constant 2.560000e+02 : f32
    %div3A_129 = vector.broadcast %div3A_128 : f32 to vector<512x1xf32>
    %div3A_130 = arith.divf %broadcast_in_dim3A_127, %div3A_129 : vector<512x1xf32>
    %sub3A_131 = vector.broadcast %div3A_130 : vector<512x1xf32> to vector<512x256xf32>
    %sub3A_132 = arith.subf %max3A_116, %sub3A_131 : vector<512x256xf32>
    %mul3A_133 = arith.mulf %sub3A_132, %sub3A_132 : vector<512x256xf32>
    %reduce_sum3A_134 = arith.constant dense<0.000000e+00> : vector<512xf32>
    %reduce_sum3A_135 = vector.multi_reduction <add>, %mul3A_133, %reduce_sum3A_134 [1] : vector<512x256xf32> to vector<512xf32>
    %broadcast_in_dim3A_136 = vector.shape_cast %reduce_sum3A_135 : vector<512xf32> to vector<512x1xf32>
    %div3A_137 = arith.constant 2.560000e+02 : f32
    %div3A_138 = vector.broadcast %div3A_137 : f32 to vector<512x1xf32>
    %div3A_139 = arith.divf %broadcast_in_dim3A_136, %div3A_138 : vector<512x1xf32>
    %add3A_140 = arith.constant 9.99999974E-6 : f32
    %add3A_141 = vector.broadcast %add3A_140 : f32 to vector<512x1xf32>
    %add3A_142 = arith.addf %div3A_139, %add3A_141 : vector<512x1xf32>
    %sqrt3A_143 = math.sqrt %add3A_142 : vector<512x1xf32>
    %div3A_144 = vector.broadcast %sqrt3A_143 : vector<512x1xf32> to vector<512x256xf32>
    %div3A_145 = arith.divf %sub3A_132, %div3A_144 : vector<512x256xf32>
    %broadcast_in_dim3A_146 = vector.shape_cast %get3A_120 : vector<256xf32> to vector<1x256xf32>
    %mul3A_147 = vector.broadcast %broadcast_in_dim3A_146 : vector<1x256xf32> to vector<512x256xf32>
    %mul3A_148 = arith.mulf %div3A_145, %mul3A_147 : vector<512x256xf32>
    %broadcast_in_dim3A_149 = vector.shape_cast %get3A_124 : vector<256xf32> to vector<1x256xf32>
    %add3A_150 = vector.broadcast %broadcast_in_dim3A_149 : vector<1x256xf32> to vector<512x256xf32>
    %add3A_151 = arith.addf %mul3A_148, %add3A_150 : vector<512x256xf32>
    %get3A_152 = arith.constant 0 : index
    %get3A_153 = arith.constant 0 : index
    %get3A_154 = vector.load %arg10[%get3A_152, %get3A_153] : memref<256x1xf32, #tpu.memory_space<vmem>>, vector<256x1xf32>
    %dot_general3A_155 = arith.constant dense<0.000000e+00> : vector<512x1xf32>
    %dot_general3A_156 = tpu.matmul %add3A_151, %get3A_154, %dot_general3A_155 {dimension_numbers = #tpu.dot_dimension_numbers<[1], [0], [0], [1], [0, 0, 1, 1], [], []>, transpose_lhs_hint = false} : vector<512x256xf32>, vector<256x1xf32>, vector<512x1xf32> -> vector<512x1xf32>
    %get3A_157 = arith.constant 0 : index
    %get3A_158 = arith.constant 0 : index
    %get3A_159 = vector.load %arg11[%get3A_157, %get3A_158] : memref<1x1xf32, #tpu.memory_space<vmem>>, vector<1x1xf32>
    %get3A_160 = vector.shape_cast %get3A_159 : vector<1x1xf32> to vector<1xf32>
    %broadcast_in_dim3A_161 = vector.shape_cast %get3A_160 : vector<1xf32> to vector<1x1xf32>
    %add3A_162 = vector.broadcast %broadcast_in_dim3A_161 : vector<1x1xf32> to vector<512x1xf32>
    %add3A_163 = arith.addf %dot_general3A_156, %add3A_162 : vector<512x1xf32>
    %exp3A = math.exp %add3A_163 : vector<512x1xf32>
    %round3A = math.roundeven %exp3A : vector<512x1xf32>
    %sub3A_164 = arith.constant 1.000000e+00 : f32
    %sub3A_165 = vector.broadcast %sub3A_164 : f32 to vector<512x1xf32>
    %sub3A_166 = arith.subf %round3A, %sub3A_165 : vector<512x1xf32>
    %max3A_167 = arith.constant 0.000000e+00 : f32
    %max3A_168 = vector.broadcast %max3A_167 : f32 to vector<512x1xf32>
    %max3A_169 = arith.maximumf %sub3A_166, %max3A_168 : vector<512x1xf32>
    %transpose3A = tpu.transpose %max3A_169, [1, 0] : vector<512x1xf32> -> vector<1x512xf32>
    %reshape3A = vector.shape_cast %transpose3A : vector<1x512xf32> to vector<1x1x512xf32>
    %swap3A_170 = arith.constant 0 : index
    %swap3A_171 = arith.constant 0 : index
    %swap3A_172 = arith.constant 0 : index
    %swap3A_173 = vector.load %arg12[%swap3A_170, %swap3A_171, %swap3A_172] : memref<1x1x512xf32, #tpu.memory_space<vmem>>, vector<1x1x512xf32>
    tpu.vector_store %arg12[%swap3A_170, %swap3A_171, %swap3A_172], %reshape3A {strides = array<i32>} : memref<1x1x512xf32, #tpu.memory_space<vmem>>, vector<1x1x512xf32>,
    %iota3A = tpu.iota {dimensions = array<i32: 0>} : vector<512x512xi32>
    %iota3A_174 = tpu.iota {dimensions = array<i32: 1>} : vector<512x512xi32>
    %le3A = arith.cmpi sle, %iota3A_174, %iota3A : vector<512x512xi32>
    %convert_element_type3A = arith.extui %le3A : vector<512x512xi1> to vector<512x512xi32>
    %convert_element_type3A_175 = arith.sitofp %convert_element_type3A : vector<512x512xi32> to vector<512x512xf32>
    %dot_general3A_176 = arith.constant dense<0.000000e+00> : vector<512x1xf32>
    %dot_general3A_177 = tpu.matmul %convert_element_type3A_175, %max3A_169, %dot_general3A_176 {dimension_numbers = #tpu.dot_dimension_numbers<[1], [0], [0], [1], [0, 0, 1, 1], [], []>, transpose_lhs_hint = false} : vector<512x512xf32>, vector<512x1xf32>, vector<512x1xf32> -> vector<512x1xf32>
    %iota3A_178 = tpu.iota {dimensions = array<i32: 1>} : vector<1x2048xi32>
    %convert_element_type3A_179 = arith.sitofp %iota3A_178 : vector<1x2048xi32> to vector<1x2048xf32>
    %le3A_180 = vector.broadcast %dot_general3A_177 : vector<512x1xf32> to vector<512x2048xf32>
    %le3A_181 = vector.broadcast %convert_element_type3A_179 : vector<1x2048xf32> to vector<512x2048xf32>
    %le3A_182 = arith.cmpf ole, %le3A_180, %le3A_181 : vector<512x2048xf32>
    %convert_element_type3A_183 = arith.extui %le3A_182 : vector<512x2048xi1> to vector<512x2048xi32>
    %convert_element_type3A_184 = arith.sitofp %convert_element_type3A_183 : vector<512x2048xi32> to vector<512x2048xf32>
    %broadcast_in_dim3A_185 = arith.constant 1.000000e+00 : f32
    %broadcast_in_dim3A_186 = vector.broadcast %broadcast_in_dim3A_185 : f32 to vector<1x512xf32>
    %dot_general3A_187 = arith.constant dense<0.000000e+00> : vector<1x2048xf32>
    %dot_general3A_188 = tpu.matmul %broadcast_in_dim3A_186, %convert_element_type3A_184, %dot_general3A_187 {dimension_numbers = #tpu.dot_dimension_numbers<[1], [0], [0], [1], [0, 0, 1, 1], [], []>, transpose_lhs_hint = false} : vector<1x512xf32>, vector<512x2048xf32>, vector<1x2048xf32> -> vector<1x2048xf32>
    %mul3A_189 = arith.constant 520 : i32
    %mul3A_190 = arith.muli %arg0, %mul3A_189 : i32
    %convert_element_type3A_191 = arith.sitofp %mul3A_190 : i32 to f32
    %add3A_192 = vector.broadcast %convert_element_type3A_191 : f32 to vector<1x2048xf32>
    %add3A_193 = arith.addf %dot_general3A_188, %add3A_192 : vector<1x2048xf32>
    %convert_element_type3A_194 = arith.fptosi %add3A_193 : vector<1x2048xf32> to vector<1x2048xi32>
    %swap3A_195 = arith.constant 0 : index
    %swap3A_196 = arith.constant 0 : index
    %swap3A_197 = arith.constant 0 : index
    %swap3A_198 = vector.load %arg13[%swap3A_195, %swap3A_196, %swap3A_197] : memref<1x1x2048xi32, #tpu.memory_space<vmem>>, vector<1x1x2048xi32>
    %swap3A_199 = vector.shape_cast %swap3A_198 : vector<1x1x2048xi32> to vector<1x2048xi32>
    %swap3A_200 = vector.shape_cast %convert_element_type3A_194 : vector<1x2048xi32> to vector<1x1x2048xi32>
    tpu.vector_store %arg13[%swap3A_195, %swap3A_196, %swap3A_197], %swap3A_200 {strides = array<i32>} : memref<1x1x2048xi32, #tpu.memory_space<vmem>>, vector<1x1x2048xi32>,
    %slice3A_201 = vector.extract_strided_slice %dot_general3A_177 {offsets = [511, 0], sizes = [1, 1], strides = [1, 1]} : vector<512x1xf32> to vector<1x1xf32>
    %min3A = arith.constant 2.048000e+03 : f32
    %min3A_202 = vector.broadcast %min3A : f32 to vector<1x1xf32>
    %min3A_203 = arith.minimumf %slice3A_201, %min3A_202 : vector<1x1xf32>
    %convert_element_type3A_204 = arith.fptosi %min3A_203 : vector<1x1xf32> to vector<1x1xi32>
    %swap3A_205 = arith.constant 0 : index
    %swap3A_206 = arith.constant 0 : index
    %swap3A_207 = arith.constant 0 : index
    %swap3A_208 = vector.load %arg14[%swap3A_205, %swap3A_206, %swap3A_207] : memref<1x1x1xi32, #tpu.memory_space<vmem>>, vector<1x1x1xi32>
    %swap3A_209 = vector.shape_cast %swap3A_208 : vector<1x1x1xi32> to vector<1x1xi32>
    %swap3A_210 = vector.shape_cast %convert_element_type3A_204 : vector<1x1xi32> to vector<1x1x1xi32>
    tpu.vector_store %arg14[%swap3A_205, %swap3A_206, %swap3A_207], %swap3A_210 {strides = array<i32>} : memref<1x1x1xi32, #tpu.memory_space<vmem>>, vector<1x1x1xi32>,
    return
  }
  func.func @transform_0(%arg0: i32) -> (i32, i32, i32) {
    %c0_i32 = arith.constant 0 : i32
    %c0_i32_0 = arith.constant 0 : i32
    %c0_i32_1 = arith.constant 0 : i32
    return %arg0, %c0_i32, %c0_i32_0 : i32, i32, i32
  }
  func.func @transform_1(%arg0: i32) -> (i32, i32, i32) {
    %c0_i32 = arith.constant 0 : i32
    %c0_i32_0 = arith.constant 0 : i32
    %c0_i32_1 = arith.constant 0 : i32
    %c0_i32_2 = arith.constant 0 : i32
    return %c0_i32, %c0_i32_0, %c0_i32_1 : i32, i32, i32
  }
  func.func @transform_2(%arg0: i32) -> (i32, i32) {
    %c0_i32 = arith.constant 0 : i32
    %c0_i32_0 = arith.constant 0 : i32
    %c0_i32_1 = arith.constant 0 : i32
    return %c0_i32, %c0_i32_0 : i32, i32
  }
  func.func @transform_3(%arg0: i32) -> (i32, i32) {
    %c0_i32 = arith.constant 0 : i32
    %c0_i32_0 = arith.constant 0 : i32
    %c0_i32_1 = arith.constant 0 : i32
    return %c0_i32, %c0_i32_0 : i32, i32
  }
  func.func @transform_4(%arg0: i32) -> (i32, i32) {
    %c0_i32 = arith.constant 0 : i32
    %c0_i32_0 = arith.constant 0 : i32
    %c0_i32_1 = arith.constant 0 : i32
    return %c0_i32, %c0_i32_0 : i32, i32
  }
  func.func @transform_5(%arg0: i32) -> (i32, i32, i32) {
    %c0_i32 = arith.constant 0 : i32
    %c0_i32_0 = arith.constant 0 : i32
    %c0_i32_1 = arith.constant 0 : i32
    %c0_i32_2 = arith.constant 0 : i32
    return %c0_i32, %c0_i32_0, %c0_i32_1 : i32, i32, i32
  }
  func.func @transform_6(%arg0: i32) -> (i32, i32) {
    %c0_i32 = arith.constant 0 : i32
    %c0_i32_0 = arith.constant 0 : i32
    %c0_i32_1 = arith.constant 0 : i32
    return %c0_i32, %c0_i32_0 : i32, i32
  }
  func.func @transform_7(%arg0: i32) -> (i32, i32) {
    %c0_i32 = arith.constant 0 : i32
    %c0_i32_0 = arith.constant 0 : i32
    %c0_i32_1 = arith.constant 0 : i32
    return %c0_i32, %c0_i32_0 : i32, i32
  }
  func.func @transform_8(%arg0: i32) -> (i32, i32) {
    %c0_i32 = arith.constant 0 : i32
    %c0_i32_0 = arith.constant 0 : i32
    %c0_i32_1 = arith.constant 0 : i32
    return %c0_i32, %c0_i32_0 : i32, i32
  }
  func.func @transform_9(%arg0: i32) -> (i32, i32) {
    %c0_i32 = arith.constant 0 : i32
    %c0_i32_0 = arith.constant 0 : i32
    %c0_i32_1 = arith.constant 0 : i32
    return %c0_i32, %c0_i32_0 : i32, i32
  }
  func.func @transform_10(%arg0: i32) -> (i32, i32) {
    %c0_i32 = arith.constant 0 : i32
    %c0_i32_0 = arith.constant 0 : i32
    %c0_i32_1 = arith.constant 0 : i32
    return %c0_i32, %c0_i32_0 : i32, i32
  }
  func.func @transform_11(%arg0: i32) -> (i32, i32, i32) {
    %c0_i32 = arith.constant 0 : i32
    %c0_i32_0 = arith.constant 0 : i32
    %c0_i32_1 = arith.constant 0 : i32
    return %arg0, %c0_i32, %c0_i32_0 : i32, i32, i32
  }
  func.func @transform_12(%arg0: i32) -> (i32, i32, i32) {
    %c0_i32 = arith.constant 0 : i32
    %c0_i32_0 = arith.constant 0 : i32
    %c0_i32_1 = arith.constant 0 : i32
    return %arg0, %c0_i32, %c0_i32_0 : i32, i32, i32
  }
  func.func @transform_13(%arg0: i32) -> (i32, i32, i32) {
    %c0_i32 = arith.constant 0 : i32
    %c0_i32_0 = arith.constant 0 : i32
    %c0_i32_1 = arith.constant 0 : i32
    return %arg0, %c0_i32, %c0_i32_0 : i32, i32, i32
  }
  func.func @transform_14(%arg0: i32) -> (i32, i32) {
    %c0_i32 = arith.constant 0 : i32
    %c0_i32_0 = arith.constant 0 : i32
    return %arg0, %c0_i32 : i32, i32
  }
}

module attributes {stable_mosaic.version = 14 : i64} {
  func.func @_stage_c_body(%arg0: i32, %arg1: memref<1x2048x256xf32, #tpu.memory_space<vmem>>, %arg2: memref<3x256x256xf32, #tpu.memory_space<vmem>>, %arg3: memref<1x256xf32, #tpu.memory_space<vmem>>, %arg4: memref<1x256xf32, #tpu.memory_space<vmem>>, %arg5: memref<1x256xf32, #tpu.memory_space<vmem>>, %arg6: memref<3x256x256xf32, #tpu.memory_space<vmem>>, %arg7: memref<1x256xf32, #tpu.memory_space<vmem>>, %arg8: memref<1x256xf32, #tpu.memory_space<vmem>>, %arg9: memref<1x256xf32, #tpu.memory_space<vmem>>, %arg10: memref<256x1xf32, #tpu.memory_space<vmem>>, %arg11: memref<1x1xf32, #tpu.memory_space<vmem>>, %arg12: memref<3x256x256xf32, #tpu.memory_space<vmem>>, %arg13: memref<1x256xf32, #tpu.memory_space<vmem>>, %arg14: memref<1x256xf32, #tpu.memory_space<vmem>>, %arg15: memref<1x256xf32, #tpu.memory_space<vmem>>, %arg16: memref<3x256x256xf32, #tpu.memory_space<vmem>>, %arg17: memref<1x256xf32, #tpu.memory_space<vmem>>, %arg18: memref<1x256xf32, #tpu.memory_space<vmem>>, %arg19: memref<1x256xf32, #tpu.memory_space<vmem>>, %arg20: memref<256x1xf32, #tpu.memory_space<vmem>>, %arg21: memref<1x1xf32, #tpu.memory_space<vmem>>, %arg22: memref<512x256xf32, #tpu.memory_space<vmem>>, %arg23: memref<8x256xf32, #tpu.memory_space<vmem>>, %arg24: memref<8x256xf32, #tpu.memory_space<vmem>>, %arg25: memref<1x2048x256xf32, #tpu.memory_space<vmem>>, %arg26: memref<1x1x2048xf32, #tpu.memory_space<vmem>>, %arg27: memref<1x1x2048xf32, #tpu.memory_space<vmem>>) attributes {dimension_semantics = [#tpu.dimension_semantics<arbitrary>], iteration_bounds = array<i64: 16>, scalar_prefetch = 0 : i64, scratch_operands = 0 : i64, tpu.core_type = #tpu.core_type<tc>, window_params = [{transform_indices = @transform_0, window_bounds = array<i64: 1, 2048, 256>}, {pipeline_mode = #tpu.pipeline_mode<synchronous>, transform_indices = @transform_1, window_bounds = array<i64: 3, 256, 256>}, {pipeline_mode = #tpu.pipeline_mode<synchronous>, transform_indices = @transform_2, window_bounds = array<i64: 1, 256>}, {pipeline_mode = #tpu.pipeline_mode<synchronous>, transform_indices = @transform_3, window_bounds = array<i64: 1, 256>}, {pipeline_mode = #tpu.pipeline_mode<synchronous>, transform_indices = @transform_4, window_bounds = array<i64: 1, 256>}, {pipeline_mode = #tpu.pipeline_mode<synchronous>, transform_indices = @transform_5, window_bounds = array<i64: 3, 256, 256>}, {pipeline_mode = #tpu.pipeline_mode<synchronous>, transform_indices = @transform_6, window_bounds = array<i64: 1, 256>}, {pipeline_mode = #tpu.pipeline_mode<synchronous>, transform_indices = @transform_7, window_bounds = array<i64: 1, 256>}, {pipeline_mode = #tpu.pipeline_mode<synchronous>, transform_indices = @transform_8, window_bounds = array<i64: 1, 256>}, {pipeline_mode = #tpu.pipeline_mode<synchronous>, transform_indices = @transform_9, window_bounds = array<i64: 256, 1>}, {pipeline_mode = #tpu.pipeline_mode<synchronous>, transform_indices = @transform_10, window_bounds = array<i64: 1, 1>}, {pipeline_mode = #tpu.pipeline_mode<synchronous>, transform_indices = @transform_11, window_bounds = array<i64: 3, 256, 256>}, {pipeline_mode = #tpu.pipeline_mode<synchronous>, transform_indices = @transform_12, window_bounds = array<i64: 1, 256>}, {pipeline_mode = #tpu.pipeline_mode<synchronous>, transform_indices = @transform_13, window_bounds = array<i64: 1, 256>}, {pipeline_mode = #tpu.pipeline_mode<synchronous>, transform_indices = @transform_14, window_bounds = array<i64: 1, 256>}, {pipeline_mode = #tpu.pipeline_mode<synchronous>, transform_indices = @transform_15, window_bounds = array<i64: 3, 256, 256>}, {pipeline_mode = #tpu.pipeline_mode<synchronous>, transform_indices = @transform_16, window_bounds = array<i64: 1, 256>}, {pipeline_mode = #tpu.pipeline_mode<synchronous>, transform_indices = @transform_17, window_bounds = array<i64: 1, 256>}, {pipeline_mode = #tpu.pipeline_mode<synchronous>, transform_indices = @transform_18, window_bounds = array<i64: 1, 256>}, {pipeline_mode = #tpu.pipeline_mode<synchronous>, transform_indices = @transform_19, window_bounds = array<i64: 256, 1>}, {pipeline_mode = #tpu.pipeline_mode<synchronous>, transform_indices = @transform_20, window_bounds = array<i64: 1, 1>}, {pipeline_mode = #tpu.pipeline_mode<synchronous>, transform_indices = @transform_21, window_bounds = array<i64: 512, 256>}, {pipeline_mode = #tpu.pipeline_mode<synchronous>, transform_indices = @transform_22, window_bounds = array<i64: 8, 256>}, {pipeline_mode = #tpu.pipeline_mode<synchronous>, transform_indices = @transform_23, window_bounds = array<i64: 8, 256>}, {transform_indices = @transform_24, window_bounds = array<i64: 1, 2048, 256>}, {transform_indices = @transform_25, window_bounds = array<i64: 1, 1, 2048>}, {transform_indices = @transform_26, window_bounds = array<i64: 1, 1, 2048>}]} {
    %get3A = arith.constant 0 : index
    %get3A_0 = arith.constant 0 : index
    %get3A_1 = arith.constant 0 : index
    %get3A_2 = vector.load %arg1[%get3A, %get3A_0, %get3A_1] : memref<1x2048x256xf32, #tpu.memory_space<vmem>>, vector<1x2048x256xf32>
    %reshape3A = vector.shape_cast %get3A_2 : vector<1x2048x256xf32> to vector<2048x256xf32>
    %broadcast_in_dim3A = arith.constant 0.000000e+00 : f32
    %broadcast_in_dim3A_3 = vector.broadcast %broadcast_in_dim3A : f32 to vector<1x256xf32>
    %slice3A = vector.extract_strided_slice %reshape3A {offsets = [0, 0], sizes = [2047, 256], strides = [1, 1]} : vector<2048x256xf32> to vector<2047x256xf32>
    %concatenate3A = tpu.concatenate %broadcast_in_dim3A_3, %slice3A in 0 : vector<1x256xf32>, vector<2047x256xf32> -> vector<2048x256xf32>
    %get3A_4 = arith.constant 0 : index
    %get3A_5 = arith.constant 0 : index
    %get3A_6 = arith.constant 0 : index
    %get3A_7 = vector.load %arg2[%get3A_4, %get3A_5, %get3A_6] : memref<3x256x256xf32, #tpu.memory_space<vmem>>, vector<1x256x256xf32>
    %get3A_8 = vector.shape_cast %get3A_7 : vector<1x256x256xf32> to vector<256x256xf32>
    %dot_general3A = arith.constant dense<0.000000e+00> : vector<2048x256xf32>
    %dot_general3A_9 = tpu.matmul %concatenate3A, %get3A_8, %dot_general3A {dimension_numbers = #tpu.dot_dimension_numbers<[1], [0], [0], [1], [0, 0, 1, 1], [], []>, transpose_lhs_hint = false} : vector<2048x256xf32>, vector<256x256xf32>, vector<2048x256xf32> -> vector<2048x256xf32>
    %get3A_10 = arith.constant 1 : index
    %get3A_11 = arith.constant 0 : index
    %get3A_12 = arith.constant 0 : index
    %get3A_13 = vector.load %arg2[%get3A_10, %get3A_11, %get3A_12] : memref<3x256x256xf32, #tpu.memory_space<vmem>>, vector<1x256x256xf32>
    %get3A_14 = vector.shape_cast %get3A_13 : vector<1x256x256xf32> to vector<256x256xf32>
    %dot_general3A_15 = arith.constant dense<0.000000e+00> : vector<2048x256xf32>
    %dot_general3A_16 = tpu.matmul %reshape3A, %get3A_14, %dot_general3A_15 {dimension_numbers = #tpu.dot_dimension_numbers<[1], [0], [0], [1], [0, 0, 1, 1], [], []>, transpose_lhs_hint = false} : vector<2048x256xf32>, vector<256x256xf32>, vector<2048x256xf32> -> vector<2048x256xf32>
    %add3A = arith.addf %dot_general3A_9, %dot_general3A_16 : vector<2048x256xf32>
    %broadcast_in_dim3A_17 = arith.constant 0.000000e+00 : f32
    %broadcast_in_dim3A_18 = vector.broadcast %broadcast_in_dim3A_17 : f32 to vector<1x256xf32>
    %slice3A_19 = vector.extract_strided_slice %reshape3A {offsets = [1, 0], sizes = [2047, 256], strides = [1, 1]} : vector<2048x256xf32> to vector<2047x256xf32>
    %concatenate3A_20 = tpu.concatenate %slice3A_19, %broadcast_in_dim3A_18 in 0 : vector<2047x256xf32>, vector<1x256xf32> -> vector<2048x256xf32>
    %get3A_21 = arith.constant 2 : index
    %get3A_22 = arith.constant 0 : index
    %get3A_23 = arith.constant 0 : index
    %get3A_24 = vector.load %arg2[%get3A_21, %get3A_22, %get3A_23] : memref<3x256x256xf32, #tpu.memory_space<vmem>>, vector<1x256x256xf32>
    %get3A_25 = vector.shape_cast %get3A_24 : vector<1x256x256xf32> to vector<256x256xf32>
    %dot_general3A_26 = arith.constant dense<0.000000e+00> : vector<2048x256xf32>
    %dot_general3A_27 = tpu.matmul %concatenate3A_20, %get3A_25, %dot_general3A_26 {dimension_numbers = #tpu.dot_dimension_numbers<[1], [0], [0], [1], [0, 0, 1, 1], [], []>, transpose_lhs_hint = false} : vector<2048x256xf32>, vector<256x256xf32>, vector<2048x256xf32> -> vector<2048x256xf32>
    %add3A_28 = arith.addf %add3A, %dot_general3A_27 : vector<2048x256xf32>
    %get3A_29 = arith.constant 0 : index
    %get3A_30 = arith.constant 0 : index
    %get3A_31 = vector.load %arg3[%get3A_29, %get3A_30] : memref<1x256xf32, #tpu.memory_space<vmem>>, vector<1x256xf32>
    %get3A_32 = vector.shape_cast %get3A_31 : vector<1x256xf32> to vector<256xf32>
    %broadcast_in_dim3A_33 = vector.shape_cast %get3A_32 : vector<256xf32> to vector<1x256xf32>
    %add3A_34 = vector.broadcast %broadcast_in_dim3A_33 : vector<1x256xf32> to vector<2048x256xf32>
    %add3A_35 = arith.addf %add3A_28, %add3A_34 : vector<2048x256xf32>
    %max3A = arith.constant 0.000000e+00 : f32
    %max3A_36 = vector.broadcast %max3A : f32 to vector<2048x256xf32>
    %max3A_37 = arith.maximumf %add3A_35, %max3A_36 : vector<2048x256xf32>
    %get3A_38 = arith.constant 0 : index
    %get3A_39 = arith.constant 0 : index
    %get3A_40 = vector.load %arg4[%get3A_38, %get3A_39] : memref<1x256xf32, #tpu.memory_space<vmem>>, vector<1x256xf32>
    %get3A_41 = vector.shape_cast %get3A_40 : vector<1x256xf32> to vector<256xf32>
    %get3A_42 = arith.constant 0 : index
    %get3A_43 = arith.constant 0 : index
    %get3A_44 = vector.load %arg5[%get3A_42, %get3A_43] : memref<1x256xf32, #tpu.memory_space<vmem>>, vector<1x256xf32>
    %get3A_45 = vector.shape_cast %get3A_44 : vector<1x256xf32> to vector<256xf32>
    %reduce_sum3A = arith.constant dense<0.000000e+00> : vector<2048xf32>
    %reduce_sum3A_46 = vector.multi_reduction <add>, %max3A_37, %reduce_sum3A [1] : vector<2048x256xf32> to vector<2048xf32>
    %broadcast_in_dim3A_47 = vector.shape_cast %reduce_sum3A_46 : vector<2048xf32> to vector<2048x1xf32>
    %div3A = arith.constant 2.560000e+02 : f32
    %div3A_48 = vector.broadcast %div3A : f32 to vector<2048x1xf32>
    %div3A_49 = arith.divf %broadcast_in_dim3A_47, %div3A_48 : vector<2048x1xf32>
    %mul3A = arith.mulf %max3A_37, %max3A_37 : vector<2048x256xf32>
    %reduce_sum3A_50 = arith.constant dense<0.000000e+00> : vector<2048xf32>
    %reduce_sum3A_51 = vector.multi_reduction <add>, %mul3A, %reduce_sum3A_50 [1] : vector<2048x256xf32> to vector<2048xf32>
    %broadcast_in_dim3A_52 = vector.shape_cast %reduce_sum3A_51 : vector<2048xf32> to vector<2048x1xf32>
    %div3A_53 = arith.constant 2.560000e+02 : f32
    %div3A_54 = vector.broadcast %div3A_53 : f32 to vector<2048x1xf32>
    %div3A_55 = arith.divf %broadcast_in_dim3A_52, %div3A_54 : vector<2048x1xf32>
    %mul3A_56 = arith.mulf %div3A_49, %div3A_49 : vector<2048x1xf32>
    %sub3A = arith.subf %div3A_55, %mul3A_56 : vector<2048x1xf32>
    %max3A_57 = arith.constant 0.000000e+00 : f32
    %max3A_58 = vector.broadcast %max3A_57 : f32 to vector<2048x1xf32>
    %max3A_59 = arith.maximumf %sub3A, %max3A_58 : vector<2048x1xf32>
    %add3A_60 = arith.constant 9.99999974E-6 : f32
    %add3A_61 = vector.broadcast %add3A_60 : f32 to vector<2048x1xf32>
    %add3A_62 = arith.addf %max3A_59, %add3A_61 : vector<2048x1xf32>
    %rsqrt3A = math.rsqrt %add3A_62 : vector<2048x1xf32>
    %sub3A_63 = vector.broadcast %div3A_49 : vector<2048x1xf32> to vector<2048x256xf32>
    %sub3A_64 = arith.subf %max3A_37, %sub3A_63 : vector<2048x256xf32>
    %mul3A_65 = vector.broadcast %rsqrt3A : vector<2048x1xf32> to vector<2048x256xf32>
    %mul3A_66 = arith.mulf %sub3A_64, %mul3A_65 : vector<2048x256xf32>
    %broadcast_in_dim3A_67 = vector.shape_cast %get3A_41 : vector<256xf32> to vector<1x256xf32>
    %mul3A_68 = vector.broadcast %broadcast_in_dim3A_67 : vector<1x256xf32> to vector<2048x256xf32>
    %mul3A_69 = arith.mulf %mul3A_66, %mul3A_68 : vector<2048x256xf32>
    %broadcast_in_dim3A_70 = vector.shape_cast %get3A_45 : vector<256xf32> to vector<1x256xf32>
    %add3A_71 = vector.broadcast %broadcast_in_dim3A_70 : vector<1x256xf32> to vector<2048x256xf32>
    %add3A_72 = arith.addf %mul3A_69, %add3A_71 : vector<2048x256xf32>
    %broadcast_in_dim3A_73 = arith.constant 0.000000e+00 : f32
    %broadcast_in_dim3A_74 = vector.broadcast %broadcast_in_dim3A_73 : f32 to vector<1x256xf32>
    %slice3A_75 = vector.extract_strided_slice %add3A_72 {offsets = [0, 0], sizes = [2047, 256], strides = [1, 1]} : vector<2048x256xf32> to vector<2047x256xf32>
    %concatenate3A_76 = tpu.concatenate %broadcast_in_dim3A_74, %slice3A_75 in 0 : vector<1x256xf32>, vector<2047x256xf32> -> vector<2048x256xf32>
    %get3A_77 = arith.constant 0 : index
    %get3A_78 = arith.constant 0 : index
    %get3A_79 = arith.constant 0 : index
    %get3A_80 = vector.load %arg6[%get3A_77, %get3A_78, %get3A_79] : memref<3x256x256xf32, #tpu.memory_space<vmem>>, vector<1x256x256xf32>
    %get3A_81 = vector.shape_cast %get3A_80 : vector<1x256x256xf32> to vector<256x256xf32>
    %dot_general3A_82 = arith.constant dense<0.000000e+00> : vector<2048x256xf32>
    %dot_general3A_83 = tpu.matmul %concatenate3A_76, %get3A_81, %dot_general3A_82 {dimension_numbers = #tpu.dot_dimension_numbers<[1], [0], [0], [1], [0, 0, 1, 1], [], []>, transpose_lhs_hint = false} : vector<2048x256xf32>, vector<256x256xf32>, vector<2048x256xf32> -> vector<2048x256xf32>
    %get3A_84 = arith.constant 1 : index
    %get3A_85 = arith.constant 0 : index
    %get3A_86 = arith.constant 0 : index
    %get3A_87 = vector.load %arg6[%get3A_84, %get3A_85, %get3A_86] : memref<3x256x256xf32, #tpu.memory_space<vmem>>, vector<1x256x256xf32>
    %get3A_88 = vector.shape_cast %get3A_87 : vector<1x256x256xf32> to vector<256x256xf32>
    %dot_general3A_89 = arith.constant dense<0.000000e+00> : vector<2048x256xf32>
    %dot_general3A_90 = tpu.matmul %add3A_72, %get3A_88, %dot_general3A_89 {dimension_numbers = #tpu.dot_dimension_numbers<[1], [0], [0], [1], [0, 0, 1, 1], [], []>, transpose_lhs_hint = false} : vector<2048x256xf32>, vector<256x256xf32>, vector<2048x256xf32> -> vector<2048x256xf32>
    %add3A_91 = arith.addf %dot_general3A_83, %dot_general3A_90 : vector<2048x256xf32>
    %broadcast_in_dim3A_92 = arith.constant 0.000000e+00 : f32
    %broadcast_in_dim3A_93 = vector.broadcast %broadcast_in_dim3A_92 : f32 to vector<1x256xf32>
    %slice3A_94 = vector.extract_strided_slice %add3A_72 {offsets = [1, 0], sizes = [2047, 256], strides = [1, 1]} : vector<2048x256xf32> to vector<2047x256xf32>
    %concatenate3A_95 = tpu.concatenate %slice3A_94, %broadcast_in_dim3A_93 in 0 : vector<2047x256xf32>, vector<1x256xf32> -> vector<2048x256xf32>
    %get3A_96 = arith.constant 2 : index
    %get3A_97 = arith.constant 0 : index
    %get3A_98 = arith.constant 0 : index
    %get3A_99 = vector.load %arg6[%get3A_96, %get3A_97, %get3A_98] : memref<3x256x256xf32, #tpu.memory_space<vmem>>, vector<1x256x256xf32>
    %get3A_100 = vector.shape_cast %get3A_99 : vector<1x256x256xf32> to vector<256x256xf32>
    %dot_general3A_101 = arith.constant dense<0.000000e+00> : vector<2048x256xf32>
    %dot_general3A_102 = tpu.matmul %concatenate3A_95, %get3A_100, %dot_general3A_101 {dimension_numbers = #tpu.dot_dimension_numbers<[1], [0], [0], [1], [0, 0, 1, 1], [], []>, transpose_lhs_hint = false} : vector<2048x256xf32>, vector<256x256xf32>, vector<2048x256xf32> -> vector<2048x256xf32>
    %add3A_103 = arith.addf %add3A_91, %dot_general3A_102 : vector<2048x256xf32>
    %get3A_104 = arith.constant 0 : index
    %get3A_105 = arith.constant 0 : index
    %get3A_106 = vector.load %arg7[%get3A_104, %get3A_105] : memref<1x256xf32, #tpu.memory_space<vmem>>, vector<1x256xf32>
    %get3A_107 = vector.shape_cast %get3A_106 : vector<1x256xf32> to vector<256xf32>
    %broadcast_in_dim3A_108 = vector.shape_cast %get3A_107 : vector<256xf32> to vector<1x256xf32>
    %add3A_109 = vector.broadcast %broadcast_in_dim3A_108 : vector<1x256xf32> to vector<2048x256xf32>
    %add3A_110 = arith.addf %add3A_103, %add3A_109 : vector<2048x256xf32>
    %max3A_111 = arith.constant 0.000000e+00 : f32
    %max3A_112 = vector.broadcast %max3A_111 : f32 to vector<2048x256xf32>
    %max3A_113 = arith.maximumf %add3A_110, %max3A_112 : vector<2048x256xf32>
    %get3A_114 = arith.constant 0 : index
    %get3A_115 = arith.constant 0 : index
    %get3A_116 = vector.load %arg8[%get3A_114, %get3A_115] : memref<1x256xf32, #tpu.memory_space<vmem>>, vector<1x256xf32>
    %get3A_117 = vector.shape_cast %get3A_116 : vector<1x256xf32> to vector<256xf32>
    %get3A_118 = arith.constant 0 : index
    %get3A_119 = arith.constant 0 : index
    %get3A_120 = vector.load %arg9[%get3A_118, %get3A_119] : memref<1x256xf32, #tpu.memory_space<vmem>>, vector<1x256xf32>
    %get3A_121 = vector.shape_cast %get3A_120 : vector<1x256xf32> to vector<256xf32>
    %reduce_sum3A_122 = arith.constant dense<0.000000e+00> : vector<2048xf32>
    %reduce_sum3A_123 = vector.multi_reduction <add>, %max3A_113, %reduce_sum3A_122 [1] : vector<2048x256xf32> to vector<2048xf32>
    %broadcast_in_dim3A_124 = vector.shape_cast %reduce_sum3A_123 : vector<2048xf32> to vector<2048x1xf32>
    %div3A_125 = arith.constant 2.560000e+02 : f32
    %div3A_126 = vector.broadcast %div3A_125 : f32 to vector<2048x1xf32>
    %div3A_127 = arith.divf %broadcast_in_dim3A_124, %div3A_126 : vector<2048x1xf32>
    %mul3A_128 = arith.mulf %max3A_113, %max3A_113 : vector<2048x256xf32>
    %reduce_sum3A_129 = arith.constant dense<0.000000e+00> : vector<2048xf32>
    %reduce_sum3A_130 = vector.multi_reduction <add>, %mul3A_128, %reduce_sum3A_129 [1] : vector<2048x256xf32> to vector<2048xf32>
    %broadcast_in_dim3A_131 = vector.shape_cast %reduce_sum3A_130 : vector<2048xf32> to vector<2048x1xf32>
    %div3A_132 = arith.constant 2.560000e+02 : f32
    %div3A_133 = vector.broadcast %div3A_132 : f32 to vector<2048x1xf32>
    %div3A_134 = arith.divf %broadcast_in_dim3A_131, %div3A_133 : vector<2048x1xf32>
    %mul3A_135 = arith.mulf %div3A_127, %div3A_127 : vector<2048x1xf32>
    %sub3A_136 = arith.subf %div3A_134, %mul3A_135 : vector<2048x1xf32>
    %max3A_137 = arith.constant 0.000000e+00 : f32
    %max3A_138 = vector.broadcast %max3A_137 : f32 to vector<2048x1xf32>
    %max3A_139 = arith.maximumf %sub3A_136, %max3A_138 : vector<2048x1xf32>
    %add3A_140 = arith.constant 9.99999974E-6 : f32
    %add3A_141 = vector.broadcast %add3A_140 : f32 to vector<2048x1xf32>
    %add3A_142 = arith.addf %max3A_139, %add3A_141 : vector<2048x1xf32>
    %rsqrt3A_143 = math.rsqrt %add3A_142 : vector<2048x1xf32>
    %sub3A_144 = vector.broadcast %div3A_127 : vector<2048x1xf32> to vector<2048x256xf32>
    %sub3A_145 = arith.subf %max3A_113, %sub3A_144 : vector<2048x256xf32>
    %mul3A_146 = vector.broadcast %rsqrt3A_143 : vector<2048x1xf32> to vector<2048x256xf32>
    %mul3A_147 = arith.mulf %sub3A_145, %mul3A_146 : vector<2048x256xf32>
    %broadcast_in_dim3A_148 = vector.shape_cast %get3A_117 : vector<256xf32> to vector<1x256xf32>
    %mul3A_149 = vector.broadcast %broadcast_in_dim3A_148 : vector<1x256xf32> to vector<2048x256xf32>
    %mul3A_150 = arith.mulf %mul3A_147, %mul3A_149 : vector<2048x256xf32>
    %broadcast_in_dim3A_151 = vector.shape_cast %get3A_121 : vector<256xf32> to vector<1x256xf32>
    %add3A_152 = vector.broadcast %broadcast_in_dim3A_151 : vector<1x256xf32> to vector<2048x256xf32>
    %add3A_153 = arith.addf %mul3A_150, %add3A_152 : vector<2048x256xf32>
    %get3A_154 = arith.constant 0 : index
    %get3A_155 = arith.constant 0 : index
    %get3A_156 = vector.load %arg10[%get3A_154, %get3A_155] : memref<256x1xf32, #tpu.memory_space<vmem>>, vector<256x1xf32>
    %dot_general3A_157 = arith.constant dense<0.000000e+00> : vector<2048x1xf32>
    %dot_general3A_158 = tpu.matmul %add3A_153, %get3A_156, %dot_general3A_157 {dimension_numbers = #tpu.dot_dimension_numbers<[1], [0], [0], [1], [0, 0, 1, 1], [], []>, transpose_lhs_hint = false} : vector<2048x256xf32>, vector<256x1xf32>, vector<2048x1xf32> -> vector<2048x1xf32>
    %get3A_159 = arith.constant 0 : index
    %get3A_160 = arith.constant 0 : index
    %get3A_161 = vector.load %arg11[%get3A_159, %get3A_160] : memref<1x1xf32, #tpu.memory_space<vmem>>, vector<1x1xf32>
    %get3A_162 = vector.shape_cast %get3A_161 : vector<1x1xf32> to vector<1xf32>
    %broadcast_in_dim3A_163 = vector.shape_cast %get3A_162 : vector<1xf32> to vector<1x1xf32>
    %add3A_164 = vector.broadcast %broadcast_in_dim3A_163 : vector<1x1xf32> to vector<2048x1xf32>
    %add3A_165 = arith.addf %dot_general3A_158, %add3A_164 : vector<2048x1xf32>
    %broadcast_in_dim3A_166 = arith.constant 0.000000e+00 : f32
    %broadcast_in_dim3A_167 = vector.broadcast %broadcast_in_dim3A_166 : f32 to vector<1x256xf32>
    %slice3A_168 = vector.extract_strided_slice %reshape3A {offsets = [0, 0], sizes = [2047, 256], strides = [1, 1]} : vector<2048x256xf32> to vector<2047x256xf32>
    %concatenate3A_169 = tpu.concatenate %broadcast_in_dim3A_167, %slice3A_168 in 0 : vector<1x256xf32>, vector<2047x256xf32> -> vector<2048x256xf32>
    %get3A_170 = arith.constant 0 : index
    %get3A_171 = arith.constant 0 : index
    %get3A_172 = arith.constant 0 : index
    %get3A_173 = vector.load %arg12[%get3A_170, %get3A_171, %get3A_172] : memref<3x256x256xf32, #tpu.memory_space<vmem>>, vector<1x256x256xf32>
    %get3A_174 = vector.shape_cast %get3A_173 : vector<1x256x256xf32> to vector<256x256xf32>
    %dot_general3A_175 = arith.constant dense<0.000000e+00> : vector<2048x256xf32>
    %dot_general3A_176 = tpu.matmul %concatenate3A_169, %get3A_174, %dot_general3A_175 {dimension_numbers = #tpu.dot_dimension_numbers<[1], [0], [0], [1], [0, 0, 1, 1], [], []>, transpose_lhs_hint = false} : vector<2048x256xf32>, vector<256x256xf32>, vector<2048x256xf32> -> vector<2048x256xf32>
    %get3A_177 = arith.constant 1 : index
    %get3A_178 = arith.constant 0 : index
    %get3A_179 = arith.constant 0 : index
    %get3A_180 = vector.load %arg12[%get3A_177, %get3A_178, %get3A_179] : memref<3x256x256xf32, #tpu.memory_space<vmem>>, vector<1x256x256xf32>
    %get3A_181 = vector.shape_cast %get3A_180 : vector<1x256x256xf32> to vector<256x256xf32>
    %dot_general3A_182 = arith.constant dense<0.000000e+00> : vector<2048x256xf32>
    %dot_general3A_183 = tpu.matmul %reshape3A, %get3A_181, %dot_general3A_182 {dimension_numbers = #tpu.dot_dimension_numbers<[1], [0], [0], [1], [0, 0, 1, 1], [], []>, transpose_lhs_hint = false} : vector<2048x256xf32>, vector<256x256xf32>, vector<2048x256xf32> -> vector<2048x256xf32>
    %add3A_184 = arith.addf %dot_general3A_176, %dot_general3A_183 : vector<2048x256xf32>
    %broadcast_in_dim3A_185 = arith.constant 0.000000e+00 : f32
    %broadcast_in_dim3A_186 = vector.broadcast %broadcast_in_dim3A_185 : f32 to vector<1x256xf32>
    %slice3A_187 = vector.extract_strided_slice %reshape3A {offsets = [1, 0], sizes = [2047, 256], strides = [1, 1]} : vector<2048x256xf32> to vector<2047x256xf32>
    %concatenate3A_188 = tpu.concatenate %slice3A_187, %broadcast_in_dim3A_186 in 0 : vector<2047x256xf32>, vector<1x256xf32> -> vector<2048x256xf32>
    %get3A_189 = arith.constant 2 : index
    %get3A_190 = arith.constant 0 : index
    %get3A_191 = arith.constant 0 : index
    %get3A_192 = vector.load %arg12[%get3A_189, %get3A_190, %get3A_191] : memref<3x256x256xf32, #tpu.memory_space<vmem>>, vector<1x256x256xf32>
    %get3A_193 = vector.shape_cast %get3A_192 : vector<1x256x256xf32> to vector<256x256xf32>
    %dot_general3A_194 = arith.constant dense<0.000000e+00> : vector<2048x256xf32>
    %dot_general3A_195 = tpu.matmul %concatenate3A_188, %get3A_193, %dot_general3A_194 {dimension_numbers = #tpu.dot_dimension_numbers<[1], [0], [0], [1], [0, 0, 1, 1], [], []>, transpose_lhs_hint = false} : vector<2048x256xf32>, vector<256x256xf32>, vector<2048x256xf32> -> vector<2048x256xf32>
    %add3A_196 = arith.addf %add3A_184, %dot_general3A_195 : vector<2048x256xf32>
    %get3A_197 = arith.constant 0 : index
    %get3A_198 = arith.constant 0 : index
    %get3A_199 = vector.load %arg13[%get3A_197, %get3A_198] : memref<1x256xf32, #tpu.memory_space<vmem>>, vector<1x256xf32>
    %get3A_200 = vector.shape_cast %get3A_199 : vector<1x256xf32> to vector<256xf32>
    %broadcast_in_dim3A_201 = vector.shape_cast %get3A_200 : vector<256xf32> to vector<1x256xf32>
    %add3A_202 = vector.broadcast %broadcast_in_dim3A_201 : vector<1x256xf32> to vector<2048x256xf32>
    %add3A_203 = arith.addf %add3A_196, %add3A_202 : vector<2048x256xf32>
    %max3A_204 = arith.constant 0.000000e+00 : f32
    %max3A_205 = vector.broadcast %max3A_204 : f32 to vector<2048x256xf32>
    %max3A_206 = arith.maximumf %add3A_203, %max3A_205 : vector<2048x256xf32>
    %get3A_207 = arith.constant 0 : index
    %get3A_208 = arith.constant 0 : index
    %get3A_209 = vector.load %arg14[%get3A_207, %get3A_208] : memref<1x256xf32, #tpu.memory_space<vmem>>, vector<1x256xf32>
    %get3A_210 = vector.shape_cast %get3A_209 : vector<1x256xf32> to vector<256xf32>
    %get3A_211 = arith.constant 0 : index
    %get3A_212 = arith.constant 0 : index
    %get3A_213 = vector.load %arg15[%get3A_211, %get3A_212] : memref<1x256xf32, #tpu.memory_space<vmem>>, vector<1x256xf32>
    %get3A_214 = vector.shape_cast %get3A_213 : vector<1x256xf32> to vector<256xf32>
    %reduce_sum3A_215 = arith.constant dense<0.000000e+00> : vector<2048xf32>
    %reduce_sum3A_216 = vector.multi_reduction <add>, %max3A_206, %reduce_sum3A_215 [1] : vector<2048x256xf32> to vector<2048xf32>
    %broadcast_in_dim3A_217 = vector.shape_cast %reduce_sum3A_216 : vector<2048xf32> to vector<2048x1xf32>
    %div3A_218 = arith.constant 2.560000e+02 : f32
    %div3A_219 = vector.broadcast %div3A_218 : f32 to vector<2048x1xf32>
    %div3A_220 = arith.divf %broadcast_in_dim3A_217, %div3A_219 : vector<2048x1xf32>
    %mul3A_221 = arith.mulf %max3A_206, %max3A_206 : vector<2048x256xf32>
    %reduce_sum3A_222 = arith.constant dense<0.000000e+00> : vector<2048xf32>
    %reduce_sum3A_223 = vector.multi_reduction <add>, %mul3A_221, %reduce_sum3A_222 [1] : vector<2048x256xf32> to vector<2048xf32>
    %broadcast_in_dim3A_224 = vector.shape_cast %reduce_sum3A_223 : vector<2048xf32> to vector<2048x1xf32>
    %div3A_225 = arith.constant 2.560000e+02 : f32
    %div3A_226 = vector.broadcast %div3A_225 : f32 to vector<2048x1xf32>
    %div3A_227 = arith.divf %broadcast_in_dim3A_224, %div3A_226 : vector<2048x1xf32>
    %mul3A_228 = arith.mulf %div3A_220, %div3A_220 : vector<2048x1xf32>
    %sub3A_229 = arith.subf %div3A_227, %mul3A_228 : vector<2048x1xf32>
    %max3A_230 = arith.constant 0.000000e+00 : f32
    %max3A_231 = vector.broadcast %max3A_230 : f32 to vector<2048x1xf32>
    %max3A_232 = arith.maximumf %sub3A_229, %max3A_231 : vector<2048x1xf32>
    %add3A_233 = arith.constant 9.99999974E-6 : f32
    %add3A_234 = vector.broadcast %add3A_233 : f32 to vector<2048x1xf32>
    %add3A_235 = arith.addf %max3A_232, %add3A_234 : vector<2048x1xf32>
    %rsqrt3A_236 = math.rsqrt %add3A_235 : vector<2048x1xf32>
    %sub3A_237 = vector.broadcast %div3A_220 : vector<2048x1xf32> to vector<2048x256xf32>
    %sub3A_238 = arith.subf %max3A_206, %sub3A_237 : vector<2048x256xf32>
    %mul3A_239 = vector.broadcast %rsqrt3A_236 : vector<2048x1xf32> to vector<2048x256xf32>
    %mul3A_240 = arith.mulf %sub3A_238, %mul3A_239 : vector<2048x256xf32>
    %broadcast_in_dim3A_241 = vector.shape_cast %get3A_210 : vector<256xf32> to vector<1x256xf32>
    %mul3A_242 = vector.broadcast %broadcast_in_dim3A_241 : vector<1x256xf32> to vector<2048x256xf32>
    %mul3A_243 = arith.mulf %mul3A_240, %mul3A_242 : vector<2048x256xf32>
    %broadcast_in_dim3A_244 = vector.shape_cast %get3A_214 : vector<256xf32> to vector<1x256xf32>
    %add3A_245 = vector.broadcast %broadcast_in_dim3A_244 : vector<1x256xf32> to vector<2048x256xf32>
    %add3A_246 = arith.addf %mul3A_243, %add3A_245 : vector<2048x256xf32>
    %broadcast_in_dim3A_247 = arith.constant 0.000000e+00 : f32
    %broadcast_in_dim3A_248 = vector.broadcast %broadcast_in_dim3A_247 : f32 to vector<1x256xf32>
    %slice3A_249 = vector.extract_strided_slice %add3A_246 {offsets = [0, 0], sizes = [2047, 256], strides = [1, 1]} : vector<2048x256xf32> to vector<2047x256xf32>
    %concatenate3A_250 = tpu.concatenate %broadcast_in_dim3A_248, %slice3A_249 in 0 : vector<1x256xf32>, vector<2047x256xf32> -> vector<2048x256xf32>
    %get3A_251 = arith.constant 0 : index
    %get3A_252 = arith.constant 0 : index
    %get3A_253 = arith.constant 0 : index
    %get3A_254 = vector.load %arg16[%get3A_251, %get3A_252, %get3A_253] : memref<3x256x256xf32, #tpu.memory_space<vmem>>, vector<1x256x256xf32>
    %get3A_255 = vector.shape_cast %get3A_254 : vector<1x256x256xf32> to vector<256x256xf32>
    %dot_general3A_256 = arith.constant dense<0.000000e+00> : vector<2048x256xf32>
    %dot_general3A_257 = tpu.matmul %concatenate3A_250, %get3A_255, %dot_general3A_256 {dimension_numbers = #tpu.dot_dimension_numbers<[1], [0], [0], [1], [0, 0, 1, 1], [], []>, transpose_lhs_hint = false} : vector<2048x256xf32>, vector<256x256xf32>, vector<2048x256xf32> -> vector<2048x256xf32>
    %get3A_258 = arith.constant 1 : index
    %get3A_259 = arith.constant 0 : index
    %get3A_260 = arith.constant 0 : index
    %get3A_261 = vector.load %arg16[%get3A_258, %get3A_259, %get3A_260] : memref<3x256x256xf32, #tpu.memory_space<vmem>>, vector<1x256x256xf32>
    %get3A_262 = vector.shape_cast %get3A_261 : vector<1x256x256xf32> to vector<256x256xf32>
    %dot_general3A_263 = arith.constant dense<0.000000e+00> : vector<2048x256xf32>
    %dot_general3A_264 = tpu.matmul %add3A_246, %get3A_262, %dot_general3A_263 {dimension_numbers = #tpu.dot_dimension_numbers<[1], [0], [0], [1], [0, 0, 1, 1], [], []>, transpose_lhs_hint = false} : vector<2048x256xf32>, vector<256x256xf32>, vector<2048x256xf32> -> vector<2048x256xf32>
    %add3A_265 = arith.addf %dot_general3A_257, %dot_general3A_264 : vector<2048x256xf32>
    %broadcast_in_dim3A_266 = arith.constant 0.000000e+00 : f32
    %broadcast_in_dim3A_267 = vector.broadcast %broadcast_in_dim3A_266 : f32 to vector<1x256xf32>
    %slice3A_268 = vector.extract_strided_slice %add3A_246 {offsets = [1, 0], sizes = [2047, 256], strides = [1, 1]} : vector<2048x256xf32> to vector<2047x256xf32>
    %concatenate3A_269 = tpu.concatenate %slice3A_268, %broadcast_in_dim3A_267 in 0 : vector<2047x256xf32>, vector<1x256xf32> -> vector<2048x256xf32>
    %get3A_270 = arith.constant 2 : index
    %get3A_271 = arith.constant 0 : index
    %get3A_272 = arith.constant 0 : index
    %get3A_273 = vector.load %arg16[%get3A_270, %get3A_271, %get3A_272] : memref<3x256x256xf32, #tpu.memory_space<vmem>>, vector<1x256x256xf32>
    %get3A_274 = vector.shape_cast %get3A_273 : vector<1x256x256xf32> to vector<256x256xf32>
    %dot_general3A_275 = arith.constant dense<0.000000e+00> : vector<2048x256xf32>
    %dot_general3A_276 = tpu.matmul %concatenate3A_269, %get3A_274, %dot_general3A_275 {dimension_numbers = #tpu.dot_dimension_numbers<[1], [0], [0], [1], [0, 0, 1, 1], [], []>, transpose_lhs_hint = false} : vector<2048x256xf32>, vector<256x256xf32>, vector<2048x256xf32> -> vector<2048x256xf32>
    %add3A_277 = arith.addf %add3A_265, %dot_general3A_276 : vector<2048x256xf32>
    %get3A_278 = arith.constant 0 : index
    %get3A_279 = arith.constant 0 : index
    %get3A_280 = vector.load %arg17[%get3A_278, %get3A_279] : memref<1x256xf32, #tpu.memory_space<vmem>>, vector<1x256xf32>
    %get3A_281 = vector.shape_cast %get3A_280 : vector<1x256xf32> to vector<256xf32>
    %broadcast_in_dim3A_282 = vector.shape_cast %get3A_281 : vector<256xf32> to vector<1x256xf32>
    %add3A_283 = vector.broadcast %broadcast_in_dim3A_282 : vector<1x256xf32> to vector<2048x256xf32>
    %add3A_284 = arith.addf %add3A_277, %add3A_283 : vector<2048x256xf32>
    %max3A_285 = arith.constant 0.000000e+00 : f32
    %max3A_286 = vector.broadcast %max3A_285 : f32 to vector<2048x256xf32>
    %max3A_287 = arith.maximumf %add3A_284, %max3A_286 : vector<2048x256xf32>
    %get3A_288 = arith.constant 0 : index
    %get3A_289 = arith.constant 0 : index
    %get3A_290 = vector.load %arg18[%get3A_288, %get3A_289] : memref<1x256xf32, #tpu.memory_space<vmem>>, vector<1x256xf32>
    %get3A_291 = vector.shape_cast %get3A_290 : vector<1x256xf32> to vector<256xf32>
    %get3A_292 = arith.constant 0 : index
    %get3A_293 = arith.constant 0 : index
    %get3A_294 = vector.load %arg19[%get3A_292, %get3A_293] : memref<1x256xf32, #tpu.memory_space<vmem>>, vector<1x256xf32>
    %get3A_295 = vector.shape_cast %get3A_294 : vector<1x256xf32> to vector<256xf32>
    %reduce_sum3A_296 = arith.constant dense<0.000000e+00> : vector<2048xf32>
    %reduce_sum3A_297 = vector.multi_reduction <add>, %max3A_287, %reduce_sum3A_296 [1] : vector<2048x256xf32> to vector<2048xf32>
    %broadcast_in_dim3A_298 = vector.shape_cast %reduce_sum3A_297 : vector<2048xf32> to vector<2048x1xf32>
    %div3A_299 = arith.constant 2.560000e+02 : f32
    %div3A_300 = vector.broadcast %div3A_299 : f32 to vector<2048x1xf32>
    %div3A_301 = arith.divf %broadcast_in_dim3A_298, %div3A_300 : vector<2048x1xf32>
    %mul3A_302 = arith.mulf %max3A_287, %max3A_287 : vector<2048x256xf32>
    %reduce_sum3A_303 = arith.constant dense<0.000000e+00> : vector<2048xf32>
    %reduce_sum3A_304 = vector.multi_reduction <add>, %mul3A_302, %reduce_sum3A_303 [1] : vector<2048x256xf32> to vector<2048xf32>
    %broadcast_in_dim3A_305 = vector.shape_cast %reduce_sum3A_304 : vector<2048xf32> to vector<2048x1xf32>
    %div3A_306 = arith.constant 2.560000e+02 : f32
    %div3A_307 = vector.broadcast %div3A_306 : f32 to vector<2048x1xf32>
    %div3A_308 = arith.divf %broadcast_in_dim3A_305, %div3A_307 : vector<2048x1xf32>
    %mul3A_309 = arith.mulf %div3A_301, %div3A_301 : vector<2048x1xf32>
    %sub3A_310 = arith.subf %div3A_308, %mul3A_309 : vector<2048x1xf32>
    %max3A_311 = arith.constant 0.000000e+00 : f32
    %max3A_312 = vector.broadcast %max3A_311 : f32 to vector<2048x1xf32>
    %max3A_313 = arith.maximumf %sub3A_310, %max3A_312 : vector<2048x1xf32>
    %add3A_314 = arith.constant 9.99999974E-6 : f32
    %add3A_315 = vector.broadcast %add3A_314 : f32 to vector<2048x1xf32>
    %add3A_316 = arith.addf %max3A_313, %add3A_315 : vector<2048x1xf32>
    %rsqrt3A_317 = math.rsqrt %add3A_316 : vector<2048x1xf32>
    %sub3A_318 = vector.broadcast %div3A_301 : vector<2048x1xf32> to vector<2048x256xf32>
    %sub3A_319 = arith.subf %max3A_287, %sub3A_318 : vector<2048x256xf32>
    %mul3A_320 = vector.broadcast %rsqrt3A_317 : vector<2048x1xf32> to vector<2048x256xf32>
    %mul3A_321 = arith.mulf %sub3A_319, %mul3A_320 : vector<2048x256xf32>
    %broadcast_in_dim3A_322 = vector.shape_cast %get3A_291 : vector<256xf32> to vector<1x256xf32>
    %mul3A_323 = vector.broadcast %broadcast_in_dim3A_322 : vector<1x256xf32> to vector<2048x256xf32>
    %mul3A_324 = arith.mulf %mul3A_321, %mul3A_323 : vector<2048x256xf32>
    %broadcast_in_dim3A_325 = vector.shape_cast %get3A_295 : vector<256xf32> to vector<1x256xf32>
    %add3A_326 = vector.broadcast %broadcast_in_dim3A_325 : vector<1x256xf32> to vector<2048x256xf32>
    %add3A_327 = arith.addf %mul3A_324, %add3A_326 : vector<2048x256xf32>
    %get3A_328 = arith.constant 0 : index
    %get3A_329 = arith.constant 0 : index
    %get3A_330 = vector.load %arg20[%get3A_328, %get3A_329] : memref<256x1xf32, #tpu.memory_space<vmem>>, vector<256x1xf32>
    %dot_general3A_331 = arith.constant dense<0.000000e+00> : vector<2048x1xf32>
    %dot_general3A_332 = tpu.matmul %add3A_327, %get3A_330, %dot_general3A_331 {dimension_numbers = #tpu.dot_dimension_numbers<[1], [0], [0], [1], [0, 0, 1, 1], [], []>, transpose_lhs_hint = false} : vector<2048x256xf32>, vector<256x1xf32>, vector<2048x1xf32> -> vector<2048x1xf32>
    %get3A_333 = arith.constant 0 : index
    %get3A_334 = arith.constant 0 : index
    %get3A_335 = vector.load %arg21[%get3A_333, %get3A_334] : memref<1x1xf32, #tpu.memory_space<vmem>>, vector<1x1xf32>
    %get3A_336 = vector.shape_cast %get3A_335 : vector<1x1xf32> to vector<1xf32>
    %broadcast_in_dim3A_337 = vector.shape_cast %get3A_336 : vector<1xf32> to vector<1x1xf32>
    %add3A_338 = vector.broadcast %broadcast_in_dim3A_337 : vector<1x1xf32> to vector<2048x1xf32>
    %add3A_339 = arith.addf %dot_general3A_332, %add3A_338 : vector<2048x1xf32>
    %transpose3A = tpu.transpose %add3A_165, [1, 0] : vector<2048x1xf32> -> vector<1x2048xf32>
    %reshape3A_340 = vector.shape_cast %transpose3A : vector<1x2048xf32> to vector<1x1x2048xf32>
    %swap3A = arith.constant 0 : index
    %swap3A_341 = arith.constant 0 : index
    %swap3A_342 = arith.constant 0 : index
    %swap3A_343 = vector.load %arg26[%swap3A, %swap3A_341, %swap3A_342] : memref<1x1x2048xf32, #tpu.memory_space<vmem>>, vector<1x1x2048xf32>
    tpu.vector_store %arg26[%swap3A, %swap3A_341, %swap3A_342], %reshape3A_340 {strides = array<i32>} : memref<1x1x2048xf32, #tpu.memory_space<vmem>>, vector<1x1x2048xf32>,
    %transpose3A_344 = tpu.transpose %add3A_339, [1, 0] : vector<2048x1xf32> -> vector<1x2048xf32>
    %reshape3A_345 = vector.shape_cast %transpose3A_344 : vector<1x2048xf32> to vector<1x1x2048xf32>
    %swap3A_346 = arith.constant 0 : index
    %swap3A_347 = arith.constant 0 : index
    %swap3A_348 = arith.constant 0 : index
    %swap3A_349 = vector.load %arg27[%swap3A_346, %swap3A_347, %swap3A_348] : memref<1x1x2048xf32, #tpu.memory_space<vmem>>, vector<1x1x2048xf32>
    tpu.vector_store %arg27[%swap3A_346, %swap3A_347, %swap3A_348], %reshape3A_345 {strides = array<i32>} : memref<1x1x2048xf32, #tpu.memory_space<vmem>>, vector<1x1x2048xf32>,
    %iota3A = tpu.iota {dimensions = array<i32: 1>} : vector<2048x256xi32>
    %convert_element_type3A = arith.sitofp %iota3A : vector<2048x256xi32> to vector<2048x256xf32>
    %get3A_350 = arith.constant 0 : index
    %get3A_351 = arith.constant 0 : index
    %get3A_352 = vector.load %arg23[%get3A_350, %get3A_351] : memref<8x256xf32, #tpu.memory_space<vmem>>, vector<1x256xf32>
    %lt3A = vector.broadcast %get3A_352 : vector<1x256xf32> to vector<2048x256xf32>
    %lt3A_353 = vector.broadcast %add3A_165 : vector<2048x1xf32> to vector<2048x256xf32>
    %lt3A_354 = arith.cmpf olt, %lt3A, %lt3A_353 : vector<2048x256xf32>
    %convert_element_type3A_355 = arith.extui %lt3A_354 : vector<2048x256xi1> to vector<2048x256xi32>
    %convert_element_type3A_356 = arith.sitofp %convert_element_type3A_355 : vector<2048x256xi32> to vector<2048x256xf32>
    %broadcast_in_dim3A_357 = arith.constant 1.000000e+00 : f32
    %broadcast_in_dim3A_358 = vector.broadcast %broadcast_in_dim3A_357 : f32 to vector<256x1xf32>
    %dot_general3A_359 = arith.constant dense<0.000000e+00> : vector<2048x1xf32>
    %dot_general3A_360 = tpu.matmul %convert_element_type3A_356, %broadcast_in_dim3A_358, %dot_general3A_359 {dimension_numbers = #tpu.dot_dimension_numbers<[1], [0], [0], [1], [0, 0, 1, 1], [], []>, transpose_lhs_hint = false} : vector<2048x256xf32>, vector<256x1xf32>, vector<2048x1xf32> -> vector<2048x1xf32>
    %eq3A = vector.broadcast %dot_general3A_360 : vector<2048x1xf32> to vector<2048x256xf32>
    %eq3A_361 = arith.cmpf oeq, %convert_element_type3A, %eq3A : vector<2048x256xf32>
    %convert_element_type3A_362 = arith.extui %eq3A_361 : vector<2048x256xi1> to vector<2048x256xi32>
    %convert_element_type3A_363 = arith.sitofp %convert_element_type3A_362 : vector<2048x256xi32> to vector<2048x256xf32>
    %get3A_364 = arith.constant 0 : index
    %get3A_365 = arith.constant 0 : index
    %get3A_366 = vector.load %arg24[%get3A_364, %get3A_365] : memref<8x256xf32, #tpu.memory_space<vmem>>, vector<1x256xf32>
    %lt3A_367 = vector.broadcast %get3A_366 : vector<1x256xf32> to vector<2048x256xf32>
    %lt3A_368 = vector.broadcast %add3A_339 : vector<2048x1xf32> to vector<2048x256xf32>
    %lt3A_369 = arith.cmpf olt, %lt3A_367, %lt3A_368 : vector<2048x256xf32>
    %convert_element_type3A_370 = arith.extui %lt3A_369 : vector<2048x256xi1> to vector<2048x256xi32>
    %convert_element_type3A_371 = arith.sitofp %convert_element_type3A_370 : vector<2048x256xi32> to vector<2048x256xf32>
    %broadcast_in_dim3A_372 = arith.constant 1.000000e+00 : f32
    %broadcast_in_dim3A_373 = vector.broadcast %broadcast_in_dim3A_372 : f32 to vector<256x1xf32>
    %dot_general3A_374 = arith.constant dense<0.000000e+00> : vector<2048x1xf32>
    %dot_general3A_375 = tpu.matmul %convert_element_type3A_371, %broadcast_in_dim3A_373, %dot_general3A_374 {dimension_numbers = #tpu.dot_dimension_numbers<[1], [0], [0], [1], [0, 0, 1, 1], [], []>, transpose_lhs_hint = false} : vector<2048x256xf32>, vector<256x1xf32>, vector<2048x1xf32> -> vector<2048x1xf32>
    %eq3A_376 = vector.broadcast %dot_general3A_375 : vector<2048x1xf32> to vector<2048x256xf32>
    %eq3A_377 = arith.cmpf oeq, %convert_element_type3A, %eq3A_376 : vector<2048x256xf32>
    %convert_element_type3A_378 = arith.extui %eq3A_377 : vector<2048x256xi1> to vector<2048x256xi32>
    %convert_element_type3A_379 = arith.sitofp %convert_element_type3A_378 : vector<2048x256xi32> to vector<2048x256xf32>
    %concatenate3A_380 = tpu.concatenate %convert_element_type3A_363, %convert_element_type3A_379 in 1 : vector<2048x256xf32>, vector<2048x256xf32> -> vector<2048x512xf32>
    %get3A_381 = arith.constant 0 : index
    %get3A_382 = arith.constant 0 : index
    %get3A_383 = vector.load %arg22[%get3A_381, %get3A_382] : memref<512x256xf32, #tpu.memory_space<vmem>>, vector<512x256xf32>
    %dot_general3A_384 = arith.constant dense<0.000000e+00> : vector<2048x256xf32>
    %dot_general3A_385 = tpu.matmul %concatenate3A_380, %get3A_383, %dot_general3A_384 {dimension_numbers = #tpu.dot_dimension_numbers<[1], [0], [0], [1], [0, 0, 1, 1], [], []>, transpose_lhs_hint = false} : vector<2048x512xf32>, vector<512x256xf32>, vector<2048x256xf32> -> vector<2048x256xf32>
    %add3A_386 = arith.addf %reshape3A, %dot_general3A_385 : vector<2048x256xf32>
    %reshape3A_387 = vector.shape_cast %add3A_386 : vector<2048x256xf32> to vector<1x2048x256xf32>
    %swap3A_388 = arith.constant 0 : index
    %swap3A_389 = arith.constant 0 : index
    %swap3A_390 = arith.constant 0 : index
    %swap3A_391 = vector.load %arg25[%swap3A_388, %swap3A_389, %swap3A_390] : memref<1x2048x256xf32, #tpu.memory_space<vmem>>, vector<1x2048x256xf32>
    tpu.vector_store %arg25[%swap3A_388, %swap3A_389, %swap3A_390], %reshape3A_387 {strides = array<i32>} : memref<1x2048x256xf32, #tpu.memory_space<vmem>>, vector<1x2048x256xf32>,
    return
  }
  func.func @transform_0(%arg0: i32) -> (i32, i32, i32) {
    %c0_i32 = arith.constant 0 : i32
    %c0_i32_0 = arith.constant 0 : i32
    %c0_i32_1 = arith.constant 0 : i32
    return %arg0, %c0_i32, %c0_i32_0 : i32, i32, i32
  }
  func.func @transform_1(%arg0: i32) -> (i32, i32, i32) {
    %c0_i32 = arith.constant 0 : i32
    %c0_i32_0 = arith.constant 0 : i32
    %c0_i32_1 = arith.constant 0 : i32
    %c0_i32_2 = arith.constant 0 : i32
    return %c0_i32, %c0_i32_0, %c0_i32_1 : i32, i32, i32
  }
  func.func @transform_2(%arg0: i32) -> (i32, i32) {
    %c0_i32 = arith.constant 0 : i32
    %c0_i32_0 = arith.constant 0 : i32
    %c0_i32_1 = arith.constant 0 : i32
    return %c0_i32, %c0_i32_0 : i32, i32
  }
  func.func @transform_3(%arg0: i32) -> (i32, i32) {
    %c0_i32 = arith.constant 0 : i32
    %c0_i32_0 = arith.constant 0 : i32
    %c0_i32_1 = arith.constant 0 : i32
    return %c0_i32, %c0_i32_0 : i32, i32
  }
  func.func @transform_4(%arg0: i32) -> (i32, i32) {
    %c0_i32 = arith.constant 0 : i32
    %c0_i32_0 = arith.constant 0 : i32
    %c0_i32_1 = arith.constant 0 : i32
    return %c0_i32, %c0_i32_0 : i32, i32
  }
  func.func @transform_5(%arg0: i32) -> (i32, i32, i32) {
    %c0_i32 = arith.constant 0 : i32
    %c0_i32_0 = arith.constant 0 : i32
    %c0_i32_1 = arith.constant 0 : i32
    %c0_i32_2 = arith.constant 0 : i32
    return %c0_i32, %c0_i32_0, %c0_i32_1 : i32, i32, i32
  }
  func.func @transform_6(%arg0: i32) -> (i32, i32) {
    %c0_i32 = arith.constant 0 : i32
    %c0_i32_0 = arith.constant 0 : i32
    %c0_i32_1 = arith.constant 0 : i32
    return %c0_i32, %c0_i32_0 : i32, i32
  }
  func.func @transform_7(%arg0: i32) -> (i32, i32) {
    %c0_i32 = arith.constant 0 : i32
    %c0_i32_0 = arith.constant 0 : i32
    %c0_i32_1 = arith.constant 0 : i32
    return %c0_i32, %c0_i32_0 : i32, i32
  }
  func.func @transform_8(%arg0: i32) -> (i32, i32) {
    %c0_i32 = arith.constant 0 : i32
    %c0_i32_0 = arith.constant 0 : i32
    %c0_i32_1 = arith.constant 0 : i32
    return %c0_i32, %c0_i32_0 : i32, i32
  }
  func.func @transform_9(%arg0: i32) -> (i32, i32) {
    %c0_i32 = arith.constant 0 : i32
    %c0_i32_0 = arith.constant 0 : i32
    %c0_i32_1 = arith.constant 0 : i32
    return %c0_i32, %c0_i32_0 : i32, i32
  }
  func.func @transform_10(%arg0: i32) -> (i32, i32) {
    %c0_i32 = arith.constant 0 : i32
    %c0_i32_0 = arith.constant 0 : i32
    %c0_i32_1 = arith.constant 0 : i32
    return %c0_i32, %c0_i32_0 : i32, i32
  }
  func.func @transform_11(%arg0: i32) -> (i32, i32, i32) {
    %c0_i32 = arith.constant 0 : i32
    %c0_i32_0 = arith.constant 0 : i32
    %c0_i32_1 = arith.constant 0 : i32
    %c0_i32_2 = arith.constant 0 : i32
    return %c0_i32, %c0_i32_0, %c0_i32_1 : i32, i32, i32
  }
  func.func @transform_12(%arg0: i32) -> (i32, i32) {
    %c0_i32 = arith.constant 0 : i32
    %c0_i32_0 = arith.constant 0 : i32
    %c0_i32_1 = arith.constant 0 : i32
    return %c0_i32, %c0_i32_0 : i32, i32
  }
  func.func @transform_13(%arg0: i32) -> (i32, i32) {
    %c0_i32 = arith.constant 0 : i32
    %c0_i32_0 = arith.constant 0 : i32
    %c0_i32_1 = arith.constant 0 : i32
    return %c0_i32, %c0_i32_0 : i32, i32
  }
  func.func @transform_14(%arg0: i32) -> (i32, i32) {
    %c0_i32 = arith.constant 0 : i32
    %c0_i32_0 = arith.constant 0 : i32
    %c0_i32_1 = arith.constant 0 : i32
    return %c0_i32, %c0_i32_0 : i32, i32
  }
  func.func @transform_15(%arg0: i32) -> (i32, i32, i32) {
    %c0_i32 = arith.constant 0 : i32
    %c0_i32_0 = arith.constant 0 : i32
    %c0_i32_1 = arith.constant 0 : i32
    %c0_i32_2 = arith.constant 0 : i32
    return %c0_i32, %c0_i32_0, %c0_i32_1 : i32, i32, i32
  }
  func.func @transform_16(%arg0: i32) -> (i32, i32) {
    %c0_i32 = arith.constant 0 : i32
    %c0_i32_0 = arith.constant 0 : i32
    %c0_i32_1 = arith.constant 0 : i32
    return %c0_i32, %c0_i32_0 : i32, i32
  }
  func.func @transform_17(%arg0: i32) -> (i32, i32) {
    %c0_i32 = arith.constant 0 : i32
    %c0_i32_0 = arith.constant 0 : i32
    %c0_i32_1 = arith.constant 0 : i32
    return %c0_i32, %c0_i32_0 : i32, i32
  }
  func.func @transform_18(%arg0: i32) -> (i32, i32) {
    %c0_i32 = arith.constant 0 : i32
    %c0_i32_0 = arith.constant 0 : i32
    %c0_i32_1 = arith.constant 0 : i32
    return %c0_i32, %c0_i32_0 : i32, i32
  }
  func.func @transform_19(%arg0: i32) -> (i32, i32) {
    %c0_i32 = arith.constant 0 : i32
    %c0_i32_0 = arith.constant 0 : i32
    %c0_i32_1 = arith.constant 0 : i32
    return %c0_i32, %c0_i32_0 : i32, i32
  }
  func.func @transform_20(%arg0: i32) -> (i32, i32) {
    %c0_i32 = arith.constant 0 : i32
    %c0_i32_0 = arith.constant 0 : i32
    %c0_i32_1 = arith.constant 0 : i32
    return %c0_i32, %c0_i32_0 : i32, i32
  }
  func.func @transform_21(%arg0: i32) -> (i32, i32) {
    %c0_i32 = arith.constant 0 : i32
    %c0_i32_0 = arith.constant 0 : i32
    %c0_i32_1 = arith.constant 0 : i32
    return %c0_i32, %c0_i32_0 : i32, i32
  }
  func.func @transform_22(%arg0: i32) -> (i32, i32) {
    %c0_i32 = arith.constant 0 : i32
    %c0_i32_0 = arith.constant 0 : i32
    %c0_i32_1 = arith.constant 0 : i32
    return %c0_i32, %c0_i32_0 : i32, i32
  }
  func.func @transform_23(%arg0: i32) -> (i32, i32) {
    %c0_i32 = arith.constant 0 : i32
    %c0_i32_0 = arith.constant 0 : i32
    %c0_i32_1 = arith.constant 0 : i32
    return %c0_i32, %c0_i32_0 : i32, i32
  }
  func.func @transform_24(%arg0: i32) -> (i32, i32, i32) {
    %c0_i32 = arith.constant 0 : i32
    %c0_i32_0 = arith.constant 0 : i32
    %c0_i32_1 = arith.constant 0 : i32
    return %arg0, %c0_i32, %c0_i32_0 : i32, i32, i32
  }
  func.func @transform_25(%arg0: i32) -> (i32, i32, i32) {
    %c0_i32 = arith.constant 0 : i32
    %c0_i32_0 = arith.constant 0 : i32
    %c0_i32_1 = arith.constant 0 : i32
    return %arg0, %c0_i32, %c0_i32_0 : i32, i32, i32
  }
  func.func @transform_26(%arg0: i32) -> (i32, i32, i32) {
    %c0_i32 = arith.constant 0 : i32
    %c0_i32_0 = arith.constant 0 : i32
    %c0_i32_1 = arith.constant 0 : i32
    return %arg0, %c0_i32, %c0_i32_0 : i32, i32, i32
  }
}

</mosaic_0001>

<sc_bundles>
// kernel: kernel.5.cloned.1.call-start
scs
__scs_entry_jumppad:
0x0: {  	(pc) =	sbr.rel $0x88, $3  }
0x1: {  	(tag) =	ssettag $0x0;
	lr =	simm.s32 $0x1  }
0x2: {  	[smem:$0x3F80] =	sst lr;
	_ =	strace $0xD0000000  }
0x3: {  	_ = 	snop  }
0x4: {  	_ = 	snop  }
0x5: {  	_ = 	snop  }
0x6: {  	_ = 	snop  }
0x7: {  	_ = 	snop  }
__scs_overlays_trampoline_lowered:
0x8: {  	[smem:$0x3F8F] =	sst s0  }
0x9: {  	[smem:$0x3F90] =	sst s1  }
0xa: {  	[smem:$0x3F91] =	sst s2  }
0xb: {  	[smem:$0x3F92] =	sst s3  }
0xc: {  	[smem:$0x3F93] =	sst s4  }
0xd: {  	[smem:$0x3F94] =	sst s5  }
0xe: {  	[smem:$0x3F95] =	sst s6  }
0xf: {  	[smem:$0x3F96] =	sst s7  }
0x10: {  	[smem:$0x3F97] =	sst s8  }
0x11: {  	[smem:$0x3F98] =	sst s9;
	s0 =	simm.s32 @!p0 $0x0  }
0x12: {  	s1 =	sld [smem:$0x3F7E];
	s0 =	simm.s32 @p0 $0x1  }
0x13: {  	[smem:$0x3F99] =	sst s0;
	s0 =	simm.s32 @!p1 $0x0  }
0x14: {  	s2 =	sld [smem:$0x3F7D];
	s0 =	simm.s32 @p1 $0x1  }
0x15: {  	[smem:$0x3F9A] =	sst s0;
	s0 =	simm.s32 @!p2 $0x0  }
0x16: {  	s3 =	sld [smem:$0x3FDB];
	s0 =	simm.s32 @p2 $0x1  }
0x17: {  	s4 =	simm.s32 $0x1BF5;
	[smem:$0x3F9C] =	sst s0  }
0x18: {  	s0 =	sld [smem:$0x3F7F];
	_ =	swait.ge [sflag:s4], $0x0  }
0x19: {  	s7 =	sld [smem:$0x3F80]  }
0x1a: {  	s8 =	sadd.s32 $0xFFFFE003, lr  }
0x1b: {  	s9 =	sadd.s32 $0xFFFFFEF7, lr;
	s5 =	simm.s32 $0xFFFFFFFF;
	p2 =	slt.u32 s8, $0xFFFFF086  }
0x1c: {  	p1 =	slt.u32 s9, $0xF7A;
	s5 =	simm.s32 @!p2 $0x0  }
0x1d: {  	s5 =	simm.s32 @p1 $0x1;
	p0 =	seq.s32 s7, s2  }
0x1e: {  	s7 =	smul.u32 @!p0 $0xF7A, s2;
	p2 =	seq.s32 @!p0 s5, $0x0  }
0x1f: {  	s9 =	smul.u32 $0xF7A, s1;
	s8 =	simm.s32 @!p0 $0x1BF5;
	p2 =	por !p2, p0  }
0x20: {  	[sflag:s8] =	ssyncset.s32 @!p0 $0xFFFFF086;
	s6 =	sadd.s32 @!p0 s3, s7;
	s7 =	simm.s32 @!p0 $0x108  }
0x21: {  	s3 =	sadd.s32 s3, s9;
	s6 =	sadd.s32 @!p0 $0x88, s6;
	s7 =	simm.s32 @p2 $0x1082  }
0x22: {  	[simem:s7], [sflag:s8] =	dma.local @!p0 [hbm:s6], $0xF7A  }
0x23: {  	s9 =	sor.u32 $0xD0000000, s2;
	s6 =	simm.s32 $0x108;
	_ =	swait.ge @!p0 [sflag:s8], $0x0  }
0x24: {  	s3 =	sadd.s32 $0x88, s3;
	s6 =	simm.s32 @!p1 $0x1082;
	[sflag:s4] =	ssyncset.s32 $0xFFFFF086  }
0x25: {  	[simem:s6], [sflag:s4] =	dma.local [hbm:s3], $0xF7A  }
0x26: {  	[smem:$0x3F80] =	sst s1;
	(tag) =	ssettag s2;
	_ =	strace s9  }
0x27: {  	s1 =	sld [smem:$0x3F90]  }
0x28: {  	s2 =	sld [smem:$0x3F91]  }
0x29: {  	s4 =	sld [smem:$0x3F93]  }
0x2a: {  	p0 =	seq.s32 s5, $0x0;
	s5 =	sld [smem:$0x3F94]  }
0x2b: {  	s6 =	sld [smem:$0x3F95]  }
0x2c: {  	s7 =	sld [smem:$0x3F96]  }
0x2d: {  	s3 =	simm.s32 $0x108;
	s8 =	sld [smem:$0x3F97]  }
0x2e: {  	s3 =	simm.s32 @!p0 $0x1082;
	s9 =	sld [smem:$0x3F98]  }
0x2f: {  	lr =	sadd.s32 s0, s3;
	s0 =	sld [smem:$0x3F8F]  }
0x30: {  	s3 =	sld [smem:$0x3F92]  }
0x31: {  	[smem:$0x3F9B] =	sst s10  }
0x32: {  	s10 =	sld [smem:$0x3F99];
	_ =	sdelay $0x3  }
0x33: {  	p0 =	seq.s32 s10, $0x1;
	s10 =	sld [smem:$0x3F9B];
	_ =	sdelay $0x3  }
0x34: {  	[smem:$0x3F9B] =	sst s10  }
0x35: {  	s10 =	sld [smem:$0x3F9A];
	_ =	sdelay $0x3  }
0x36: {  	p1 =	seq.s32 s10, $0x1;
	s10 =	sld [smem:$0x3F9B];
	_ =	sdelay $0x3  }
0x37: {  	[smem:$0x3F9B] =	sst s10  }
0x38: {  	s10 =	sld [smem:$0x3F9C]  }
0x39: {  	_ = 	snop;
	(pc) =	sbr.ind lr, $3  }
0x3a: {  	_ = 	snop  }
0x3b: {  	_ = 	snop  }
0x3c: {  	p2 =	seq.s32 s10, $0x1;
	s10 =	sld [smem:$0x3F9B]  }
0x3d: {  	_ =	shalt  }
0x3e: {  	_ =	shalt  }
0x3f: {  	_ =	shalt  }
0x40: {  	_ =	shalt  }
0x41: {  	_ =	shalt  }
0x42: {  	_ =	shalt  }
0x43: {  	_ =	shalt  }
0x44: {  	_ =	shalt  }
0x45: {  	_ =	shalt  }
0x46: {  	_ =	shalt  }
0x47: {  	_ =	shalt  }
0x48: {  	_ =	shalt  }
0x49: {  	_ =	shalt  }
0x4a: {  	_ =	shalt  }
0x4b: {  	_ =	shalt  }
0x4c: {  	_ =	shalt  }
0x4d: {  	_ =	shalt  }
0x4e: {  	_ =	shalt  }
0x4f: {  	_ =	shalt  }
0x50: {  	_ =	shalt  }
0x51: {  	_ =	shalt  }
0x52: {  	_ =	shalt  }
0x53: {  	_ =	shalt  }
0x54: {  	_ =	shalt  }
0x55: {  	_ =	shalt  }
0x56: {  	_ =	shalt  }
0x57: {  	_ =	shalt  }
0x58: {  	_ =	shalt  }
0x59: {  	_ =	shalt  }
0x5a: {  	_ =	shalt  }
0x5b: {  	_ =	shalt  }
0x5c: {  	_ =	shalt  }
0x5d: {  	_ =	shalt  }
0x5e: {  	_ =	shalt  }
0x5f: {  	_ =	shalt  }
0x60: {  	_ =	shalt  }
0x61: {  	_ =	shalt  }
0x62: {  	_ =	shalt  }
0x63: {  	_ =	shalt  }
0x64: {  	_ =	shalt  }
0x65: {  	_ =	shalt  }
0x66: {  	_ =	shalt  }
0x67: {  	_ =	shalt  }
0x68: {  	_ =	shalt  }
0x69: {  	_ =	shalt  }
0x6a: {  	_ =	shalt  }
0x6b: {  	_ =	shalt  }
0x6c: {  	_ =	shalt  }
0x6d: {  	_ =	shalt  }
0x6e: {  	_ =	shalt  }
0x6f: {  	_ =	shalt  }
0x70: {  	_ =	shalt  }
0x71: {  	_ =	shalt  }
0x72: {  	_ =	shalt  }
0x73: {  	_ =	shalt  }
0x74: {  	_ =	shalt  }
0x75: {  	_ =	shalt  }
0x76: {  	_ =	shalt  }
0x77: {  	_ =	shalt  }
0x78: {  	_ =	shalt  }
0x79: {  	_ =	shalt  }
0x7a: {  	_ =	shalt  }
0x7b: {  	_ =	shalt  }
0x7c: {  	_ =	shalt  }
0x7d: {  	_ =	shalt  }
0x7e: {  	_ =	shalt  }
0x7f: {  	_ =	shalt  }
0x80: {  	_ =	shalt  }
0x81: {  	_ =	shalt  }
0x82: {  	_ =	shalt  }
0x83: {  	_ =	shalt  }
0x84: {  	_ =	shalt  }
0x85: {  	_ =	shalt  }
0x86: {  	_ =	shalt  }
0x87: {  	_ =	shalt  }
.Lfunc_end0:
.L_simem_size_0:
called_computation_lowered:
.L_overlay_start_0:
0x88: {  	s2 =	sld [smem:$0x3FD9]  }
0x89: {  	s3 =	sld [smem:$0x3FFE];
	_ =	sdelay $0x1  }
0x8a: {  	s1 =	srdreg.scid  }
0x8b: {  	s0 =	sand.u32 $0x1, s1  }
0x8c: {  	s14 =	sshll.u32 s0, $0xA;
	s2 =	sadd.s32 s3, s2  }
0x8d: {  	s2 =	sadd.s32 s2, s14  }
0x8e: {  	[smem:$0x3FA7] =	sst s2  }
0x8f: {  	_ = 	snop  }
0x90: {  	s2 =	sld [smem:$0x3FD0];
	_ =	sdelay $0x2  }
0x91: {  	s15 =	simm.s32 $0xA;
	s4 =	simm.s32 $0x10  }
0x92: {  	[smem:s4], [sflag:s15] =	dma.local [hbm:s2], $0x1  }
0x93: {  	_ =	swait.eq [sflag:s15], $0x1  }
0x94: {  	[sflag:s15] =	ssyncset.done $0x0  }
0x95: {  	s16 =	sld [smem:$0x10];
	[sflag:s15] =	ssyncadd.s32 $0xFFFFFFFF  }
0x96: {  	s17 =	sld [smem:$0x13];
	(tm) =	ssettm $0x1  }
0x97: {  	s18 =	sld [smem:$0x3FFB];
	_ =	sdelay $0x3  }
0x98: {  	_ =	strace s18  }
0x99: {  	s4 =	sld [smem:$0x3FFC];
	_ =	sdelay $0x3  }
0x9a: {  	_ =	strace s4  }
0x9b: {  	s4 =	sld [smem:$0x3FFD];
	_ =	sdelay $0x3  }
0x9c: {  	_ =	strace s4  }
0x9d: {  	_ =	strace $0x8FFFFFFF  }
0x9e: {  	s19 =	sld [smem:$0x3FDB];
	_ =	sdelay $0x1  }
0x9f: {  	s5 =	simm.s32 $_scs_section_size  }
0xa0: {  	s6 =	simm.s32 $_size__tile_overlayer_lowered;
	s7 =	simm.s32 $_tile_overlayer_lowered  }
0xa1: {  	s22 =	simm.s32 $0x1BFF;
	s21 =	sshll.u32 s7, $0x1;
	s4 =	sadd.s32 s5, s19  }
0xa2: {  	s8 =	simm.s32 $0x0;
	s20 =	sshll.u32 s6, $0x1;
	s6 =	sadd.s32 s21, s4  }
0xa3: {  	[timem:s8], [sflag:s22] =	dma.local [hbm:s6], s20  }
0xa4: {  	_ =	swait.ge [sflag:s22], s20  }
0xa5: {  	s5 =	ssub.s32 $0x0, s20;
	[sflag:s22] =	ssyncset.done $0x0  }
0xa6: {  	[sflag:s22] =	ssyncadd.s32 s5;
	_ =	sdelay $0x1  }
0xa7: {  	s23 =	simm.s32 $0x1B8B  }
0xa8: {  	_ =	swait.ge [sflag:s23], $0x1  }
0xa9: {  	[sflag:s23] =	ssyncset.done $0x0  }
0xaa: {  	s25 =	simm.s32 $0x1B8E;
	s24 =	sld [smem:$0x3FFE];
	[sflag:s23] =	ssyncadd.s32 $0xFFFFFFFF  }
0xab: {  	s26 =	simm.s32 $execute0_lowered;
	[smem:$0x3FD2] =	sst s25  }
0xac: {  	s6 =	sshll.u32 s26, $0x1;
	_ =	strace $0x80000046;
	[dreg:$0x1] =	wrdreg $0xFFFFFFFF  }
0xad: {  	s28 =	simm.s32 $_size_execute0_lowered;
	s4 =	sadd.s32 s4, s6;
	[dreg:$0x0] =	wrdreg $0x0  }
0xae: {  	s6 =	sshll.u32 s28, $0x1;
	[dreg:$0x2] =	wrdreg s4  }
0xaf: {  	[dreg:$0x3] =	wrdreg s6  }
0xb0: {  	[dreg:$0x4] =	wrdreg $0xC0  }
0xb1: {  	_ =	task [dreg:s8], $0x5FFFF  }
0xb2: {  	[dreg:$0x1] =	wrdreg $0xFFFFFFFF  }
0xb3: {  	[dreg:$0x0] =	wrdreg $0x60  }
0xb4: {  	[dreg:$0x2] =	wrdreg s16  }
0xb5: {  	[dreg:$0x3] =	wrdreg s17  }
0xb6: {  	[dreg:$0x4] =	wrdreg s24  }
0xb7: {  	[dreg:$0x5] =	wrdreg $0x9  }
0xb8: {  	_ =	task.clear_ibuf [dreg:s8], $0x6FFFF;
	_ =	strace $0x90000046  }
0xb9: {  	s29 =	simm.s32 $0x9;
	_ =	strace $0x80000048  }
0xba: {  	_ =	swait.ge [sflag:s29], $0x1  }
0xbb: {  	[sflag:s29] =	ssyncadd.s32 $0xFFFFFFFF  }
0xbc: {  	_ =	strace $0x90000048  }
0xbd: {  	_ =	sfence  }
0xbe: {  	s30 =	sld [smem:$0x0];
	_ =	sdelay $0x2  }
0xbf: {  	s31 =	sshll.u32 s1, $0xD;
	s1 =	sshrl.u32 s1, $0x2  }
0xc0: {  	s3 =	sand.u32 $0x4000, s31;
	s1 =	sadd.s32 s1, s30  }
0xc1: {  	s0 =	sor.u32 s3, s0;
	s1 =	sshll.u32 s1, $0x11  }
0xc2: {  	s0 =	sor.u32 s1, s0  }
0xc3: {  	s0 =	sadd.s32 $0x8F2B, s0  }
0xc4: {  	[sflag:s0] =	ssyncadd.remote.s32 $0x1  }
0xc5: {  	_ =	sfence.sel $0xFFFF  }
0xc6: {  	[dreg:$0x0] =	wrdreg $0xFFFFFFFF;
	(pc) =	sbr.abs _section_cstart, $3  }
0xc7: {  	[dreg:$0x1] =	wrdreg $0xFFFFFFFF  }
0xc8: {  	_ =	task.clear_ibuf [dreg:s8], $0x2FFFF;
	_ =	strace $0x9FFFFFFF  }
0xc9: {  	(tm) =	ssettm $0x7FFFFFFF  }
tec
execute0_lowered:
.L_overlay_start_1:
0x0: {  	(tag) =	ssettag $0x1  }
0x1: {  	s1 =	rddreg [dreg:$0x0];
	s0 =	srdreg.scid  }
0x2: {  	s2 =	rddreg [dreg:$0x1];
	s3 =	stileid.u32  }
0x3: {  	s4 =	rddreg [dreg:$0x2];
	s31 =	simm.s32 $0x180;
	s28 =	simm.s32 $0x16980  }
0x4: {  	s29 =	simm.s32 $0x17180;
	s30 =	simm.s32 $0x17980;
	s0 =	sand.u32 $0x1, s0  }
0x5: {  	s5 =	sshll.u32 s3, $0xB;
	s3 =	simm.s32 $0x0;
	s4 =	sadd.s32 $0x4800, s4  }
0x6: {  	s6 =	sshll.u32 s0, $0xA;
	[smem:$0x7FF] =	sst s3;
	s0 =	ssub.s32 $0x2, s0  }
0x7: {  	s5 =	sor.u32 s6, s5;
	_ =	strace $0x80000047;
	s18 =	sshrl.u32 s0, $0x1  }
0x8: {  	s6 =	sshrl.u32 s5, $0x3;
	s7 =	sor.u32 $0x80, s5;
	s20 =	sor.u32 $0x100, s5  }
0x9: {  	s9 =	sshll.u32 s5, $0x5;
	s10 =	sor.u32 $0x180, s5;
	s26 =	sor.u32 $0x200, s5  }
0xa: {  	s11 =	sor.u32 $0x280, s5;
	s17 =	sor.u32 $0x300, s5;
	s5 =	sor.u32 $0x380, s5  }
0xb: {  	s0 =	ssub.s32 s0, s18;
	s18 =	simm.s32 $0x3;
	s6 =	sadd.s32 s2, s6  }
0xc: {  	s8 =	sshrl.u32 s7, $0x3;
	s21 =	sshrl.u32 s20, $0x3;
	s22 =	sadd.s32 s4, s9  }
0xd: {  	s23 =	sshrl.u32 s10, $0x3;
	s7 =	sshll.u32 s7, $0x5;
	s9 =	sshrl.u32 s26, $0x3  }
0xe: {  	s13 =	sshrl.u32 s11, $0x3;
	s15 =	sshll.u32 s10, $0x5;
	[dreg:$0x4] =	wrdreg s6  }
0xf: {  	s19 =	sadd.s32 s2, s8;
	s6 =	sadd.s32 s2, s21;
	[dreg:$0x7] =	wrdreg s22  }
0x10: {  	s24 =	sadd.s32 s2, s23;
	s25 =	sadd.s32 s4, s7;
	s8 =	sshll.u32 s20, $0x5  }
0x11: {  	s14 =	sadd.s32 s2, s13;
	s16 =	sadd.s32 s4, s15;
	[dreg:$0x5] =	wrdreg s19  }
0x12: {  	s7 =	sshll.u32 s26, $0x5;
	s21 =	sshrl.u32 s5, $0x3;
	[dreg:$0x6] =	wrdreg s6  }
0x13: {  	s22 =	sshll.u32 s11, $0x5;
	s5 =	sshll.u32 s5, $0x5;
	[dreg:$0x8] =	wrdreg s24  }
0x14: {  	s15 =	simm.s32 $0x4;
	s13 =	simm.s32 $0x11180;
	[dreg:$0x9] =	wrdreg s25  }
0x15: {  	s11 =	simm.s32 $0x13180;
	s6 =	sadd.s32 s2, s9;
	[dreg:$0xc] =	wrdreg s14  }
0x16: {  	s12 =	sadd.s32 s4, s8;
	[dreg:$0xd] =	wrdreg s16;
	s19 =	sshrl.u32 s17, $0x3  }
0x17: {  	s20 =	sadd.s32 s4, s7;
	s23 =	sadd.s32 s4, s22;
	s24 =	sshll.u32 s17, $0x5  }
0x18: {  	s26 =	sadd.s32 s4, s5;
	s5 =	simm.s32 $0x7;
	s14 =	simm.s32 $0x1  }
0x19: {  	s16 =	simm.s32 $0x2;
	s17 =	simm.s32 $0x5;
	[dreg:$0xa] =	wrdreg s6  }
0x1a: {  	s7 =	simm.s32 $0x11980;
	s8 =	simm.s32 $0x12180;
	[dreg:$0xb] =	wrdreg s12  }
0x1b: {  	s9 =	simm.s32 $0x12980;
	s22 =	simm.s32 $0x14980;
	[dreg:$0xf] =	wrdreg s20  }
0x1c: {  	s6 =	sadd.s32 s2, s19;
	s2 =	sadd.s32 s2, s21;
	[dreg:$0x11] =	wrdreg s23  }
0x1d: {  	s25 =	sadd.s32 s4, s24;
	[dreg:$0x13] =	wrdreg s26;
	s4 =	smax.u32 s0, $0x1  }
0x1e: {  	s23 =	simm.s32 $0x8180;
	s19 =	simm.s32 $0x6;
	[dreg:$0xe] =	wrdreg s6  }
0x1f: {  	v2 =	vlaneseq.u32;
	s12 =	simm.s32 $0x13980;
	s21 =	simm.s32 $0x14180;
	[dreg:$0x10] =	wrdreg s2  }
0x20: {  	vm0 =	vmmov $0xffff;
	v1 =	vshrl.u32 v2, $0x3;
	s24 =	simm.s32 $0x15180;
	s26 =	simm.s32 $0x16180;
	[dreg:$0x12] =	wrdreg s25  }
0x21: {  	v0 =	vand.u32 $0x7, v2;
	v2 =	vor.u32 $0x8, v2;
	v1 =	vmul.u32 $0x8, v1;
	s2 =	simm.s32 $0x10180;
	s6 =	simm.s32 $0x10980;
	s25 =	simm.s32 $0x15980  }
.LBB2_1:
0x22: {  	s20 =	rddreg [dreg:$0x4]  }
0x23: {  	[tilespmem:s3], [sflag:$0x7] =	stream.linear.gather [hbm4b:s20+s3], $0x80, $0x38;
	[tilespmem:$0x18180] =	vst v63  }
0x24: {  	_ =	swait.ge [sflag:s5], $0x80  }
0x25: {  	[sflag:s5] =	ssyncset.done $0x0  }
0x26: {  	[sflag:s5] =	ssyncadd.s32 $0xFFFFFF80  }
0x27: {  	v3 =	vld [tilespmem:$0x0];
	_ =	sdelay $0x4  }
0x28: {  	v4 =	vshll.u32 v3, $0x1  }
0x29: {  	v3 =	vand.u32 $0x7, v3;
	v4 =	vand.u32 $0xFFFFFFF0, v4  }
0x2a: {  	v3 =	vor.u32 v3, v4  }
0x2b: {  	v4 =	vperm.xlane v3, v0;
	_ =	sdelay $0x1  }
0x2c: {  	v3 =	vperm.xlane v3, v2;
	v4 =	vadd.s32 v1, v4;
	_ =	sdelay $0x1  }
0x2d: {  	v3 =	vadd.s32 v1, v3;
	_ =	sdelay $0x2  }
0x2e: {  	[tilespmem:s31], [sflag:$0x1] =	stream.indirect_vreg.gather [hbm4b:s1+s3], $0x80, v4, vm0, $0xb8;
	[tilespmem:$0x18180] =	vst v63  }
0x2f: {  	s0 =	simm.s32 $0x980  }
0x30: {  	[tilespmem:s0], [sflag:$0x1] =	stream.indirect_vreg.gather [hbm4b:s1+s3], $0x80, v3, vm0, $0xb8;
	[tilespmem:$0x18180] =	vst v63  }
0x31: {  	v3 =	vld [tilespmem:$0x10];
	_ =	sdelay $0x4  }
0x32: {  	v57 =	vshll.u32 v3, $0x1  }
0x33: {  	v3 =	vand.u32 $0x7, v3;
	v4 =	vand.u32 $0xFFFFFFF0, v57  }
0x34: {  	v3 =	vor.u32 v3, v4  }
0x35: {  	v4 =	vperm.xlane v3, v0;
	_ =	sdelay $0x1  }
0x36: {  	v3 =	vperm.xlane v3, v2;
	v4 =	vadd.s32 v1, v4;
	_ =	sdelay $0x1  }
0x37: {  	v3 =	vadd.s32 v1, v3;
	_ =	sdelay $0x1  }
0x38: {  	s20 =	simm.s32 $0x1180  }
0x39: {  	[tilespmem:s20], [sflag:$0x1] =	stream.indirect_vreg.gather [hbm4b:s1+s3], $0x80, v4, vm0, $0xb8;
	[tilespmem:$0x18180] =	vst v63  }
0x3a: {  	s20 =	simm.s32 $0x1980  }
0x3b: {  	[tilespmem:s20], [sflag:$0x1] =	stream.indirect_vreg.gather [hbm4b:s1+s3], $0x80, v3, vm0, $0xb8;
	[tilespmem:$0x18180] =	vst v63  }
0x3c: {  	v3 =	vld [tilespmem:$0x20];
	_ =	sdelay $0x4  }
0x3d: {  	v58 =	vshll.u32 v3, $0x1  }
0x3e: {  	v3 =	vand.u32 $0x7, v3;
	v4 =	vand.u32 $0xFFFFFFF0, v58  }
0x3f: {  	v3 =	vor.u32 v3, v4  }
0x40: {  	v4 =	vperm.xlane v3, v0;
	_ =	sdelay $0x1  }
0x41: {  	v3 =	vperm.xlane v3, v2;
	v4 =	vadd.s32 v1, v4;
	_ =	sdelay $0x1  }
0x42: {  	v3 =	vadd.s32 v1, v3;
	_ =	sdelay $0x1  }
0x43: {  	s20 =	simm.s32 $0x2180  }
0x44: {  	[tilespmem:s20], [sflag:$0x1] =	stream.indirect_vreg.gather [hbm4b:s1+s3], $0x80, v4, vm0, $0xb8;
	[tilespmem:$0x18180] =	vst v63  }
0x45: {  	s20 =	simm.s32 $0x2980  }
0x46: {  	[tilespmem:s20], [sflag:$0x1] =	stream.indirect_vreg.gather [hbm4b:s1+s3], $0x80, v3, vm0, $0xb8;
	[tilespmem:$0x18180] =	vst v63  }
0x47: {  	v3 =	vld [tilespmem:$0x30];
	_ =	sdelay $0x4  }
0x48: {  	v59 =	vshll.u32 v3, $0x1  }
0x49: {  	v3 =	vand.u32 $0x7, v3;
	v4 =	vand.u32 $0xFFFFFFF0, v59  }
0x4a: {  	v3 =	vor.u32 v3, v4  }
0x4b: {  	v4 =	vperm.xlane v3, v0;
	_ =	sdelay $0x1  }
0x4c: {  	v3 =	vperm.xlane v3, v2;
	v4 =	vadd.s32 v1, v4;
	_ =	sdelay $0x1  }
0x4d: {  	v3 =	vadd.s32 v1, v3;
	_ =	sdelay $0x1  }
0x4e: {  	s20 =	simm.s32 $0x3180  }
0x4f: {  	[tilespmem:s20], [sflag:$0x1] =	stream.indirect_vreg.gather [hbm4b:s1+s3], $0x80, v4, vm0, $0xb8;
	[tilespmem:$0x18180] =	vst v63  }
0x50: {  	s20 =	simm.s32 $0x3980  }
0x51: {  	[tilespmem:s20], [sflag:$0x1] =	stream.indirect_vreg.gather [hbm4b:s1+s3], $0x80, v3, vm0, $0xb8;
	[tilespmem:$0x18180] =	vst v63  }
0x52: {  	v3 =	vld [tilespmem:$0x40];
	_ =	sdelay $0x4  }
0x53: {  	v60 =	vshll.u32 v3, $0x1  }
0x54: {  	v3 =	vand.u32 $0x7, v3;
	v4 =	vand.u32 $0xFFFFFFF0, v60  }
0x55: {  	v3 =	vor.u32 v3, v4  }
0x56: {  	v4 =	vperm.xlane v3, v0;
	_ =	sdelay $0x1  }
0x57: {  	v3 =	vperm.xlane v3, v2;
	v4 =	vadd.s32 v1, v4;
	_ =	sdelay $0x1  }
0x58: {  	v3 =	vadd.s32 v1, v3;
	_ =	sdelay $0x1  }
0x59: {  	s20 =	simm.s32 $0x4180  }
0x5a: {  	[tilespmem:s20], [sflag:$0x1] =	stream.indirect_vreg.gather [hbm4b:s1+s3], $0x80, v4, vm0, $0xb8;
	[tilespmem:$0x18180] =	vst v63  }
0x5b: {  	s20 =	simm.s32 $0x4980  }
0x5c: {  	[tilespmem:s20], [sflag:$0x1] =	stream.indirect_vreg.gather [hbm4b:s1+s3], $0x80, v3, vm0, $0xb8;
	[tilespmem:$0x18180] =	vst v63  }
0x5d: {  	v3 =	vld [tilespmem:$0x50];
	_ =	sdelay $0x4  }
0x5e: {  	v61 =	vshll.u32 v3, $0x1  }
0x5f: {  	v3 =	vand.u32 $0x7, v3;
	v4 =	vand.u32 $0xFFFFFFF0, v61  }
0x60: {  	v3 =	vor.u32 v3, v4  }
0x61: {  	v4 =	vperm.xlane v3, v0;
	_ =	sdelay $0x1  }
0x62: {  	v3 =	vperm.xlane v3, v2;
	v4 =	vadd.s32 v1, v4;
	_ =	sdelay $0x1  }
0x63: {  	v3 =	vadd.s32 v1, v3;
	_ =	sdelay $0x1  }
0x64: {  	s20 =	simm.s32 $0x5180  }
0x65: {  	[tilespmem:s20], [sflag:$0x1] =	stream.indirect_vreg.gather [hbm4b:s1+s3], $0x80, v4, vm0, $0xb8;
	[tilespmem:$0x18180] =	vst v63  }
0x66: {  	s20 =	simm.s32 $0x5980  }
0x67: {  	[tilespmem:s20], [sflag:$0x1] =	stream.indirect_vreg.gather [hbm4b:s1+s3], $0x80, v3, vm0, $0xb8;
	[tilespmem:$0x18180] =	vst v63  }
0x68: {  	v3 =	vld [tilespmem:$0x60];
	_ =	sdelay $0x4  }
0x69: {  	v62 =	vshll.u32 v3, $0x1  }
0x6a: {  	v3 =	vand.u32 $0x7, v3;
	v4 =	vand.u32 $0xFFFFFFF0, v62  }
0x6b: {  	v3 =	vor.u32 v3, v4  }
0x6c: {  	v4 =	vperm.xlane v3, v0;
	_ =	sdelay $0x1  }
0x6d: {  	v3 =	vperm.xlane v3, v2;
	v4 =	vadd.s32 v1, v4;
	_ =	sdelay $0x1  }
0x6e: {  	v3 =	vadd.s32 v1, v3;
	_ =	sdelay $0x1  }
0x6f: {  	s20 =	simm.s32 $0x6180  }
0x70: {  	[tilespmem:s20], [sflag:$0x1] =	stream.indirect_vreg.gather [hbm4b:s1+s3], $0x80, v4, vm0, $0xb8;
	[tilespmem:$0x18180] =	vst v63  }
0x71: {  	s20 =	simm.s32 $0x6980  }
0x72: {  	[tilespmem:s20], [sflag:$0x1] =	stream.indirect_vreg.gather [hbm4b:s1+s3], $0x80, v3, vm0, $0xb8;
	[tilespmem:$0x18180] =	vst v63  }
0x73: {  	v3 =	vld [tilespmem:$0x70];
	_ =	sdelay $0x4  }
0x74: {  	v63 =	vshll.u32 v3, $0x1  }
0x75: {  	v3 =	vand.u32 $0x7, v3;
	v4 =	vand.u32 $0xFFFFFFF0, v63  }
0x76: {  	v3 =	vor.u32 v3, v4  }
0x77: {  	v4 =	vperm.xlane v3, v0;
	_ =	sdelay $0x1  }
0x78: {  	v3 =	vperm.xlane v3, v2;
	v4 =	vadd.s32 v1, v4;
	_ =	sdelay $0x1  }
0x79: {  	v3 =	vadd.s32 v1, v3;
	_ =	sdelay $0x1  }
0x7a: {  	s20 =	simm.s32 $0x7180  }
0x7b: {  	[tilespmem:s20], [sflag:$0x1] =	stream.indirect_vreg.gather [hbm4b:s1+s3], $0x80, v4, vm0, $0xb8;
	[tilespmem:$0x18180] =	vst v63  }
0x7c: {  	s0 =	simm.s32 $0x7980  }
0x7d: {  	[tilespmem:s0], [sflag:$0x1] =	stream.indirect_vreg.gather [hbm4b:s1+s3], $0x80, v3, vm0, $0xb8;
	[tilespmem:$0x18180] =	vst v63  }
0x7e: {  	s20 =	rddreg [dreg:$0x5];
	s0 =	simm.s32 $0x80  }
0x7f: {  	[tilespmem:s0], [sflag:$0x7] =	stream.linear.gather [hbm4b:s20+s3], $0x80, $0x38;
	[tilespmem:$0x18180] =	vst v63  }
0x80: {  	_ =	swait.ge [sflag:s5], $0x80  }
0x81: {  	[sflag:s5] =	ssyncset.done $0x0  }
0x82: {  	[sflag:s5] =	ssyncadd.s32 $0xFFFFFF80  }
0x83: {  	v3 =	vld [tilespmem:$0x80];
	_ =	sdelay $0x4  }
0x84: {  	v8 =	vshll.u32 v3, $0x1  }
0x85: {  	v3 =	vand.u32 $0x7, v3;
	v4 =	vand.u32 $0xFFFFFFF0, v8  }
0x86: {  	v3 =	vor.u32 v3, v4  }
0x87: {  	v4 =	vperm.xlane v3, v0;
	_ =	sdelay $0x1  }
0x88: {  	v3 =	vperm.xlane v3, v2;
	v4 =	vadd.s32 v1, v4;
	_ =	sdelay $0x1  }
0x89: {  	v3 =	vadd.s32 v1, v3;
	_ =	sdelay $0x2  }
0x8a: {  	[tilespmem:s23], [sflag:$0x2] =	stream.indirect_vreg.gather [hbm4b:s1+s3], $0x80, v4, vm0, $0xb8;
	[tilespmem:$0x18180] =	vst v63  }
0x8b: {  	s20 =	simm.s32 $0x8980  }
0x8c: {  	[tilespmem:s20], [sflag:$0x2] =	stream.indirect_vreg.gather [hbm4b:s1+s3], $0x80, v3, vm0, $0xb8;
	[tilespmem:$0x18180] =	vst v63  }
0x8d: {  	v3 =	vld [tilespmem:$0x90];
	_ =	sdelay $0x4  }
0x8e: {  	v9 =	vshll.u32 v3, $0x1  }
0x8f: {  	v3 =	vand.u32 $0x7, v3;
	v4 =	vand.u32 $0xFFFFFFF0, v9  }
0x90: {  	v3 =	vor.u32 v3, v4  }
0x91: {  	v4 =	vperm.xlane v3, v0;
	_ =	sdelay $0x1  }
0x92: {  	v3 =	vperm.xlane v3, v2;
	v4 =	vadd.s32 v1, v4;
	_ =	sdelay $0x1  }
0x93: {  	v3 =	vadd.s32 v1, v3;
	_ =	sdelay $0x1  }
0x94: {  	s20 =	simm.s32 $0x9180  }
0x95: {  	[tilespmem:s20], [sflag:$0x2] =	stream.indirect_vreg.gather [hbm4b:s1+s3], $0x80, v4, vm0, $0xb8;
	[tilespmem:$0x18180] =	vst v63  }
0x96: {  	s20 =	simm.s32 $0x9980  }
0x97: {  	[tilespmem:s20], [sflag:$0x2] =	stream.indirect_vreg.gather [hbm4b:s1+s3], $0x80, v3, vm0, $0xb8;
	[tilespmem:$0x18180] =	vst v63  }
0x98: {  	v3 =	vld [tilespmem:$0xA0];
	_ =	sdelay $0x4  }
0x99: {  	v10 =	vshll.u32 v3, $0x1  }
0x9a: {  	v3 =	vand.u32 $0x7, v3;
	v4 =	vand.u32 $0xFFFFFFF0, v10  }
0x9b: {  	v3 =	vor.u32 v3, v4  }
0x9c: {  	v4 =	vperm.xlane v3, v0;
	_ =	sdelay $0x1  }
0x9d: {  	v3 =	vperm.xlane v3, v2;
	v4 =	vadd.s32 v1, v4;
	_ =	sdelay $0x1  }
0x9e: {  	v3 =	vadd.s32 v1, v3;
	_ =	sdelay $0x1  }
0x9f: {  	s20 =	simm.s32 $0xA180  }
0xa0: {  	[tilespmem:s20], [sflag:$0x2] =	stream.indirect_vreg.gather [hbm4b:s1+s3], $0x80, v4, vm0, $0xb8;
	[tilespmem:$0x18180] =	vst v63  }
0xa1: {  	s20 =	simm.s32 $0xA980  }
0xa2: {  	[tilespmem:s20], [sflag:$0x2] =	stream.indirect_vreg.gather [hbm4b:s1+s3], $0x80, v3, vm0, $0xb8;
	[tilespmem:$0x18180] =	vst v63  }
0xa3: {  	v3 =	vld [tilespmem:$0xB0];
	_ =	sdelay $0x4  }
0xa4: {  	v11 =	vshll.u32 v3, $0x1  }
0xa5: {  	v3 =	vand.u32 $0x7, v3;
	v4 =	vand.u32 $0xFFFFFFF0, v11  }
0xa6: {  	v3 =	vor.u32 v3, v4  }
0xa7: {  	v4 =	vperm.xlane v3, v0;
	_ =	sdelay $0x1  }
0xa8: {  	v3 =	vperm.xlane v3, v2;
	v4 =	vadd.s32 v1, v4;
	_ =	sdelay $0x1  }
0xa9: {  	v3 =	vadd.s32 v1, v3;
	_ =	sdelay $0x1  }
0xaa: {  	s20 =	simm.s32 $0xB180  }
0xab: {  	[tilespmem:s20], [sflag:$0x2] =	stream.indirect_vreg.gather [hbm4b:s1+s3], $0x80, v4, vm0, $0xb8;
	[tilespmem:$0x18180] =	vst v63  }
0xac: {  	s20 =	simm.s32 $0xB980  }
0xad: {  	[tilespmem:s20], [sflag:$0x2] =	stream.indirect_vreg.gather [hbm4b:s1+s3], $0x80, v3, vm0, $0xb8;
	[tilespmem:$0x18180] =	vst v63  }
0xae: {  	v3 =	vld [tilespmem:$0xC0];
	_ =	sdelay $0x4  }
0xaf: {  	v12 =	vshll.u32 v3, $0x1  }
0xb0: {  	v3 =	vand.u32 $0x7, v3;
	v4 =	vand.u32 $0xFFFFFFF0, v12  }
0xb1: {  	v3 =	vor.u32 v3, v4  }
0xb2: {  	v4 =	vperm.xlane v3, v0;
	_ =	sdelay $0x1  }
0xb3: {  	v3 =	vperm.xlane v3, v2;
	v4 =	vadd.s32 v1, v4;
	_ =	sdelay $0x1  }
0xb4: {  	v3 =	vadd.s32 v1, v3;
	_ =	sdelay $0x1  }
0xb5: {  	s20 =	simm.s32 $0xC180  }
0xb6: {  	[tilespmem:s20], [sflag:$0x2] =	stream.indirect_vreg.gather [hbm4b:s1+s3], $0x80, v4, vm0, $0xb8;
	[tilespmem:$0x18180] =	vst v63  }
0xb7: {  	s20 =	simm.s32 $0xC980  }
0xb8: {  	[tilespmem:s20], [sflag:$0x2] =	stream.indirect_vreg.gather [hbm4b:s1+s3], $0x80, v3, vm0, $0xb8;
	[tilespmem:$0x18180] =	vst v63  }
0xb9: {  	v3 =	vld [tilespmem:$0xD0];
	_ =	sdelay $0x4  }
0xba: {  	v13 =	vshll.u32 v3, $0x1  }
0xbb: {  	v3 =	vand.u32 $0x7, v3;
	v4 =	vand.u32 $0xFFFFFFF0, v13  }
0xbc: {  	v3 =	vor.u32 v3, v4  }
0xbd: {  	v4 =	vperm.xlane v3, v0;
	_ =	sdelay $0x1  }
0xbe: {  	v3 =	vperm.xlane v3, v2;
	v4 =	vadd.s32 v1, v4;
	_ =	sdelay $0x1  }
0xbf: {  	v3 =	vadd.s32 v1, v3;
	_ =	sdelay $0x1  }
0xc0: {  	s20 =	simm.s32 $0xD180  }
0xc1: {  	[tilespmem:s20], [sflag:$0x2] =	stream.indirect_vreg.gather [hbm4b:s1+s3], $0x80, v4, vm0, $0xb8;
	[tilespmem:$0x18180] =	vst v63  }
0xc2: {  	s20 =	simm.s32 $0xD980  }
0xc3: {  	[tilespmem:s20], [sflag:$0x2] =	stream.indirect_vreg.gather [hbm4b:s1+s3], $0x80, v3, vm0, $0xb8;
	[tilespmem:$0x18180] =	vst v63  }
0xc4: {  	v3 =	vld [tilespmem:$0xE0];
	_ =	sdelay $0x4  }
0xc5: {  	v14 =	vshll.u32 v3, $0x1  }
0xc6: {  	v3 =	vand.u32 $0x7, v3;
	v4 =	vand.u32 $0xFFFFFFF0, v14  }
0xc7: {  	v3 =	vor.u32 v3, v4  }
0xc8: {  	v4 =	vperm.xlane v3, v0;
	_ =	sdelay $0x1  }
0xc9: {  	v3 =	vperm.xlane v3, v2;
	v4 =	vadd.s32 v1, v4;
	_ =	sdelay $0x1  }
0xca: {  	v3 =	vadd.s32 v1, v3;
	_ =	sdelay $0x1  }
0xcb: {  	s20 =	simm.s32 $0xE180  }
0xcc: {  	[tilespmem:s20], [sflag:$0x2] =	stream.indirect_vreg.gather [hbm4b:s1+s3], $0x80, v4, vm0, $0xb8;
	[tilespmem:$0x18180] =	vst v63  }
0xcd: {  	s20 =	simm.s32 $0xE980  }
0xce: {  	[tilespmem:s20], [sflag:$0x2] =	stream.indirect_vreg.gather [hbm4b:s1+s3], $0x80, v3, vm0, $0xb8;
	[tilespmem:$0x18180] =	vst v63  }
0xcf: {  	v3 =	vld [tilespmem:$0xF0];
	_ =	sdelay $0x4  }
0xd0: {  	v15 =	vshll.u32 v3, $0x1  }
0xd1: {  	v3 =	vand.u32 $0x7, v3;
	v4 =	vand.u32 $0xFFFFFFF0, v15  }
0xd2: {  	v3 =	vor.u32 v3, v4  }
0xd3: {  	v4 =	vperm.xlane v3, v0;
	_ =	sdelay $0x1  }
0xd4: {  	v3 =	vperm.xlane v3, v2;
	v4 =	vadd.s32 v1, v4;
	_ =	sdelay $0x1  }
0xd5: {  	v3 =	vadd.s32 v1, v3;
	_ =	sdelay $0x1  }
0xd6: {  	s20 =	simm.s32 $0xF180  }
0xd7: {  	[tilespmem:s20], [sflag:$0x2] =	stream.indirect_vreg.gather [hbm4b:s1+s3], $0x80, v4, vm0, $0xb8;
	[tilespmem:$0x18180] =	vst v63  }
0xd8: {  	s0 =	simm.s32 $0xF980  }
0xd9: {  	[tilespmem:s0], [sflag:$0x2] =	stream.indirect_vreg.gather [hbm4b:s1+s3], $0x80, v3, vm0, $0xb8;
	[tilespmem:$0x18180] =	vst v63  }
0xda: {  	s20 =	rddreg [dreg:$0x6];
	s0 =	simm.s32 $0x100  }
0xdb: {  	[tilespmem:s0], [sflag:$0x7] =	stream.linear.gather [hbm4b:s20+s3], $0x80, $0x38;
	[tilespmem:$0x18180] =	vst v63  }
0xdc: {  	_ =	swait.ge [sflag:s5], $0x80  }
0xdd: {  	[sflag:s5] =	ssyncset.done $0x0  }
0xde: {  	[sflag:s5] =	ssyncadd.s32 $0xFFFFFF80  }
0xdf: {  	v3 =	vld [tilespmem:$0x100];
	_ =	sdelay $0x4  }
0xe0: {  	v16 =	vshll.u32 v3, $0x1  }
0xe1: {  	v3 =	vand.u32 $0x7, v3;
	v4 =	vand.u32 $0xFFFFFFF0, v16  }
0xe2: {  	v3 =	vor.u32 v3, v4  }
0xe3: {  	v4 =	vperm.xlane v3, v0;
	_ =	sdelay $0x1  }
0xe4: {  	v3 =	vperm.xlane v3, v2;
	v4 =	vadd.s32 v1, v4;
	_ =	sdelay $0x1  }
0xe5: {  	v3 =	vadd.s32 v1, v3;
	_ =	sdelay $0x2  }
0xe6: {  	[tilespmem:s2], [sflag:$0x3] =	stream.indirect_vreg.gather [hbm4b:s1+s3], $0x80, v4, vm0, $0xb8;
	[tilespmem:$0x18180] =	vst v63  }
0xe7: {  	_ = 	snop  }
0xe8: {  	[tilespmem:s6], [sflag:$0x3] =	stream.indirect_vreg.gather [hbm4b:s1+s3], $0x80, v3, vm0, $0xb8;
	[tilespmem:$0x18180] =	vst v63  }
0xe9: {  	v3 =	vld [tilespmem:$0x110];
	_ =	sdelay $0x4  }
0xea: {  	v17 =	vshll.u32 v3, $0x1  }
0xeb: {  	v3 =	vand.u32 $0x7, v3;
	v4 =	vand.u32 $0xFFFFFFF0, v17  }
0xec: {  	v3 =	vor.u32 v3, v4  }
0xed: {  	v4 =	vperm.xlane v3, v0;
	_ =	sdelay $0x1  }
0xee: {  	v3 =	vperm.xlane v3, v2;
	v4 =	vadd.s32 v1, v4;
	_ =	sdelay $0x1  }
0xef: {  	v3 =	vadd.s32 v1, v3;
	_ =	sdelay $0x2  }
0xf0: {  	[tilespmem:s13], [sflag:$0x3] =	stream.indirect_vreg.gather [hbm4b:s1+s3], $0x80, v4, vm0, $0xb8;
	[tilespmem:$0x18180] =	vst v63  }
0xf1: {  	_ = 	snop  }
0xf2: {  	[tilespmem:s7], [sflag:$0x3] =	stream.indirect_vreg.gather [hbm4b:s1+s3], $0x80, v3, vm0, $0xb8;
	[tilespmem:$0x18180] =	vst v63  }
0xf3: {  	v3 =	vld [tilespmem:$0x120];
	_ =	sdelay $0x4  }
0xf4: {  	v18 =	vshll.u32 v3, $0x1  }
0xf5: {  	v3 =	vand.u32 $0x7, v3;
	v4 =	vand.u32 $0xFFFFFFF0, v18  }
0xf6: {  	v3 =	vor.u32 v3, v4  }
0xf7: {  	v4 =	vperm.xlane v3, v0;
	_ =	sdelay $0x1  }
0xf8: {  	v3 =	vperm.xlane v3, v2;
	v4 =	vadd.s32 v1, v4;
	_ =	sdelay $0x1  }
0xf9: {  	v3 =	vadd.s32 v1, v3;
	_ =	sdelay $0x2  }
0xfa: {  	[tilespmem:s8], [sflag:$0x3] =	stream.indirect_vreg.gather [hbm4b:s1+s3], $0x80, v4, vm0, $0xb8;
	[tilespmem:$0x18180] =	vst v63  }
0xfb: {  	_ = 	snop  }
0xfc: {  	[tilespmem:s9], [sflag:$0x3] =	stream.indirect_vreg.gather [hbm4b:s1+s3], $0x80, v3, vm0, $0xb8;
	[tilespmem:$0x18180] =	vst v63  }
0xfd: {  	v3 =	vld [tilespmem:$0x130];
	_ =	sdelay $0x4  }
0xfe: {  	v19 =	vshll.u32 v3, $0x1  }
0xff: {  	v3 =	vand.u32 $0x7, v3;
	v4 =	vand.u32 $0xFFFFFFF0, v19  }
0x100: {  	v3 =	vor.u32 v3, v4  }
0x101: {  	v4 =	vperm.xlane v3, v0;
	_ =	sdelay $0x1  }
0x102: {  	v3 =	vperm.xlane v3, v2;
	v4 =	vadd.s32 v1, v4;
	_ =	sdelay $0x1  }
0x103: {  	v3 =	vadd.s32 v1, v3;
	_ =	sdelay $0x2  }
0x104: {  	[tilespmem:s11], [sflag:$0x3] =	stream.indirect_vreg.gather [hbm4b:s1+s3], $0x80, v4, vm0, $0xb8;
	[tilespmem:$0x18180] =	vst v63  }
0x105: {  	_ = 	snop  }
0x106: {  	[tilespmem:s12], [sflag:$0x3] =	stream.indirect_vreg.gather [hbm4b:s1+s3], $0x80, v3, vm0, $0xb8;
	[tilespmem:$0x18180] =	vst v63  }
0x107: {  	v3 =	vld [tilespmem:$0x140];
	_ =	sdelay $0x4  }
0x108: {  	v20 =	vshll.u32 v3, $0x1  }
0x109: {  	v3 =	vand.u32 $0x7, v3;
	v4 =	vand.u32 $0xFFFFFFF0, v20  }
0x10a: {  	v3 =	vor.u32 v3, v4  }
0x10b: {  	v4 =	vperm.xlane v3, v0;
	_ =	sdelay $0x1  }
0x10c: {  	v3 =	vperm.xlane v3, v2;
	v4 =	vadd.s32 v1, v4;
	_ =	sdelay $0x1  }
0x10d: {  	v3 =	vadd.s32 v1, v3;
	_ =	sdelay $0x2  }
0x10e: {  	[tilespmem:s21], [sflag:$0x3] =	stream.indirect_vreg.gather [hbm4b:s1+s3], $0x80, v4, vm0, $0xb8;
	[tilespmem:$0x18180] =	vst v63  }
0x10f: {  	_ = 	snop  }
0x110: {  	[tilespmem:s22], [sflag:$0x3] =	stream.indirect_vreg.gather [hbm4b:s1+s3], $0x80, v3, vm0, $0xb8;
	[tilespmem:$0x18180] =	vst v63  }
0x111: {  	v3 =	vld [tilespmem:$0x150];
	_ =	sdelay $0x4  }
0x112: {  	v21 =	vshll.u32 v3, $0x1  }
0x113: {  	v3 =	vand.u32 $0x7, v3;
	v4 =	vand.u32 $0xFFFFFFF0, v21  }
0x114: {  	v3 =	vor.u32 v3, v4  }
0x115: {  	v4 =	vperm.xlane v3, v0;
	_ =	sdelay $0x1  }
0x116: {  	v3 =	vperm.xlane v3, v2;
	v4 =	vadd.s32 v1, v4;
	_ =	sdelay $0x1  }
0x117: {  	v3 =	vadd.s32 v1, v3;
	_ =	sdelay $0x2  }
0x118: {  	[tilespmem:s24], [sflag:$0x3] =	stream.indirect_vreg.gather [hbm4b:s1+s3], $0x80, v4, vm0, $0xb8;
	[tilespmem:$0x18180] =	vst v63  }
0x119: {  	_ = 	snop  }
0x11a: {  	[tilespmem:s25], [sflag:$0x3] =	stream.indirect_vreg.gather [hbm4b:s1+s3], $0x80, v3, vm0, $0xb8;
	[tilespmem:$0x18180] =	vst v63  }
0x11b: {  	v3 =	vld [tilespmem:$0x160];
	_ =	sdelay $0x4  }
0x11c: {  	v22 =	vshll.u32 v3, $0x1  }
0x11d: {  	v3 =	vand.u32 $0x7, v3;
	v4 =	vand.u32 $0xFFFFFFF0, v22  }
0x11e: {  	v3 =	vor.u32 v3, v4  }
0x11f: {  	v4 =	vperm.xlane v3, v0;
	_ =	sdelay $0x1  }
0x120: {  	v3 =	vperm.xlane v3, v2;
	v4 =	vadd.s32 v1, v4;
	_ =	sdelay $0x1  }
0x121: {  	v3 =	vadd.s32 v1, v3;
	_ =	sdelay $0x2  }
0x122: {  	[tilespmem:s26], [sflag:$0x3] =	stream.indirect_vreg.gather [hbm4b:s1+s3], $0x80, v4, vm0, $0xb8;
	[tilespmem:$0x18180] =	vst v63  }
0x123: {  	_ = 	snop  }
0x124: {  	[tilespmem:s28], [sflag:$0x3] =	stream.indirect_vreg.gather [hbm4b:s1+s3], $0x80, v3, vm0, $0xb8;
	[tilespmem:$0x18180] =	vst v63  }
0x125: {  	v3 =	vld [tilespmem:$0x170];
	_ =	sdelay $0x4  }
0x126: {  	v23 =	vshll.u32 v3, $0x1  }
0x127: {  	v3 =	vand.u32 $0x7, v3;
	v4 =	vand.u32 $0xFFFFFFF0, v23  }
0x128: {  	v3 =	vor.u32 v3, v4  }
0x129: {  	v4 =	vperm.xlane v3, v0;
	_ =	sdelay $0x1  }
0x12a: {  	v3 =	vperm.xlane v3, v2;
	v4 =	vadd.s32 v1, v4;
	_ =	sdelay $0x1  }
0x12b: {  	v3 =	vadd.s32 v1, v3;
	_ =	sdelay $0x2  }
0x12c: {  	[tilespmem:s29], [sflag:$0x3] =	stream.indirect_vreg.gather [hbm4b:s1+s3], $0x80, v4, vm0, $0xb8;
	[tilespmem:$0x18180] =	vst v63  }
0x12d: {  	_ = 	snop  }
0x12e: {  	[tilespmem:s30], [sflag:$0x3] =	stream.indirect_vreg.gather [hbm4b:s1+s3], $0x80, v3, vm0, $0xb8;
	[tilespmem:$0x18180] =	vst v63  }
0x12f: {  	_ =	swait.ge [sflag:s14], $0x8000  }
0x130: {  	[sflag:s14] =	ssyncset.done $0x0  }
0x131: {  	s20 =	rddreg [dreg:$0x7];
	[sflag:s14] =	ssyncadd.s32 $0xFFFF8000  }
0x132: {  	[hbm4b:s20+s3] =	stream.linear.scatter [tilespmem:s31], [sflag:$0x4], $0x8000, $0x38;
	[tilespmem:$0x18180] =	vst v63  }
0x133: {  	_ =	swait.ge [sflag:s15], $0x8000  }
0x134: {  	[sflag:s15] =	ssyncset.done $0x0  }
0x135: {  	s20 =	rddreg [dreg:$0x8];
	[sflag:s15] =	ssyncadd.s32 $0xFFFF8000  }
0x136: {  	[tilespmem:s3], [sflag:$0x7] =	stream.linear.gather [hbm4b:s20+s3], $0x80, $0x38;
	[tilespmem:$0x18180] =	vst v63  }
0x137: {  	_ =	swait.ge [sflag:s5], $0x80  }
0x138: {  	[sflag:s5] =	ssyncset.done $0x0  }
0x139: {  	[sflag:s5] =	ssyncadd.s32 $0xFFFFFF80  }
0x13a: {  	v3 =	vld [tilespmem:$0x0];
	_ =	sdelay $0x4  }
0x13b: {  	v24 =	vshll.u32 v3, $0x1  }
0x13c: {  	v3 =	vand.u32 $0x7, v3;
	v4 =	vand.u32 $0xFFFFFFF0, v24  }
0x13d: {  	v3 =	vor.u32 v3, v4  }
0x13e: {  	v4 =	vperm.xlane v3, v0;
	_ =	sdelay $0x1  }
0x13f: {  	v3 =	vperm.xlane v3, v2;
	v4 =	vadd.s32 v1, v4;
	_ =	sdelay $0x1  }
0x140: {  	v3 =	vadd.s32 v1, v3;
	_ =	sdelay $0x2  }
0x141: {  	[tilespmem:s31], [sflag:$0x1] =	stream.indirect_vreg.gather [hbm4b:s1+s3], $0x80, v4, vm0, $0xb8;
	[tilespmem:$0x18180] =	vst v63  }
0x142: {  	s10 =	simm.s32 $0x980  }
0x143: {  	[tilespmem:s10], [sflag:$0x1] =	stream.indirect_vreg.gather [hbm4b:s1+s3], $0x80, v3, vm0, $0xb8;
	[tilespmem:$0x18180] =	vst v63  }
0x144: {  	v3 =	vld [tilespmem:$0x10];
	_ =	sdelay $0x4  }
0x145: {  	v25 =	vshll.u32 v3, $0x1  }
0x146: {  	v3 =	vand.u32 $0x7, v3;
	v4 =	vand.u32 $0xFFFFFFF0, v25  }
0x147: {  	v3 =	vor.u32 v3, v4  }
0x148: {  	v4 =	vperm.xlane v3, v0;
	_ =	sdelay $0x1  }
0x149: {  	v3 =	vperm.xlane v3, v2;
	v4 =	vadd.s32 v1, v4;
	_ =	sdelay $0x1  }
0x14a: {  	v3 =	vadd.s32 v1, v3;
	_ =	sdelay $0x1  }
0x14b: {  	s20 =	simm.s32 $0x1180  }
0x14c: {  	[tilespmem:s20], [sflag:$0x1] =	stream.indirect_vreg.gather [hbm4b:s1+s3], $0x80, v4, vm0, $0xb8;
	[tilespmem:$0x18180] =	vst v63  }
0x14d: {  	s20 =	simm.s32 $0x1980  }
0x14e: {  	[tilespmem:s20], [sflag:$0x1] =	stream.indirect_vreg.gather [hbm4b:s1+s3], $0x80, v3, vm0, $0xb8;
	[tilespmem:$0x18180] =	vst v63  }
0x14f: {  	v3 =	vld [tilespmem:$0x20];
	_ =	sdelay $0x4  }
0x150: {  	v26 =	vshll.u32 v3, $0x1  }
0x151: {  	v3 =	vand.u32 $0x7, v3;
	v4 =	vand.u32 $0xFFFFFFF0, v26  }
0x152: {  	v3 =	vor.u32 v3, v4  }
0x153: {  	v4 =	vperm.xlane v3, v0;
	_ =	sdelay $0x1  }
0x154: {  	v3 =	vperm.xlane v3, v2;
	v4 =	vadd.s32 v1, v4;
	_ =	sdelay $0x1  }
0x155: {  	v3 =	vadd.s32 v1, v3;
	_ =	sdelay $0x1  }
0x156: {  	s20 =	simm.s32 $0x2180  }
0x157: {  	[tilespmem:s20], [sflag:$0x1] =	stream.indirect_vreg.gather [hbm4b:s1+s3], $0x80, v4, vm0, $0xb8;
	[tilespmem:$0x18180] =	vst v63  }
0x158: {  	s20 =	simm.s32 $0x2980  }
0x159: {  	[tilespmem:s20], [sflag:$0x1] =	stream.indirect_vreg.gather [hbm4b:s1+s3], $0x80, v3, vm0, $0xb8;
	[tilespmem:$0x18180] =	vst v63  }
0x15a: {  	v3 =	vld [tilespmem:$0x30];
	_ =	sdelay $0x4  }
0x15b: {  	v27 =	vshll.u32 v3, $0x1  }
0x15c: {  	v3 =	vand.u32 $0x7, v3;
	v4 =	vand.u32 $0xFFFFFFF0, v27  }
0x15d: {  	v3 =	vor.u32 v3, v4  }
0x15e: {  	v4 =	vperm.xlane v3, v0;
	_ =	sdelay $0x1  }
0x15f: {  	v3 =	vperm.xlane v3, v2;
	v4 =	vadd.s32 v1, v4;
	_ =	sdelay $0x1  }
0x160: {  	v3 =	vadd.s32 v1, v3;
	_ =	sdelay $0x1  }
0x161: {  	s20 =	simm.s32 $0x3180  }
0x162: {  	[tilespmem:s20], [sflag:$0x1] =	stream.indirect_vreg.gather [hbm4b:s1+s3], $0x80, v4, vm0, $0xb8;
	[tilespmem:$0x18180] =	vst v63  }
0x163: {  	s20 =	simm.s32 $0x3980  }
0x164: {  	[tilespmem:s20], [sflag:$0x1] =	stream.indirect_vreg.gather [hbm4b:s1+s3], $0x80, v3, vm0, $0xb8;
	[tilespmem:$0x18180] =	vst v63  }
0x165: {  	v3 =	vld [tilespmem:$0x40];
	_ =	sdelay $0x4  }
0x166: {  	v28 =	vshll.u32 v3, $0x1  }
0x167: {  	v3 =	vand.u32 $0x7, v3;
	v4 =	vand.u32 $0xFFFFFFF0, v28  }
0x168: {  	v3 =	vor.u32 v3, v4  }
0x169: {  	v4 =	vperm.xlane v3, v0;
	_ =	sdelay $0x1  }
0x16a: {  	v3 =	vperm.xlane v3, v2;
	v4 =	vadd.s32 v1, v4;
	_ =	sdelay $0x1  }
0x16b: {  	v3 =	vadd.s32 v1, v3;
	_ =	sdelay $0x1  }
0x16c: {  	s20 =	simm.s32 $0x4180  }
0x16d: {  	[tilespmem:s20], [sflag:$0x1] =	stream.indirect_vreg.gather [hbm4b:s1+s3], $0x80, v4, vm0, $0xb8;
	[tilespmem:$0x18180] =	vst v63  }
0x16e: {  	s20 =	simm.s32 $0x4980  }
0x16f: {  	[tilespmem:s20], [sflag:$0x1] =	stream.indirect_vreg.gather [hbm4b:s1+s3], $0x80, v3, vm0, $0xb8;
	[tilespmem:$0x18180] =	vst v63  }
0x170: {  	v3 =	vld [tilespmem:$0x50];
	_ =	sdelay $0x4  }
0x171: {  	v29 =	vshll.u32 v3, $0x1  }
0x172: {  	v3 =	vand.u32 $0x7, v3;
	v4 =	vand.u32 $0xFFFFFFF0, v29  }
0x173: {  	v3 =	vor.u32 v3, v4  }
0x174: {  	v4 =	vperm.xlane v3, v0;
	_ =	sdelay $0x1  }
0x175: {  	v3 =	vperm.xlane v3, v2;
	v4 =	vadd.s32 v1, v4;
	_ =	sdelay $0x1  }
0x176: {  	v3 =	vadd.s32 v1, v3;
	_ =	sdelay $0x1  }
0x177: {  	s20 =	simm.s32 $0x5180  }
0x178: {  	[tilespmem:s20], [sflag:$0x1] =	stream.indirect_vreg.gather [hbm4b:s1+s3], $0x80, v4, vm0, $0xb8;
	[tilespmem:$0x18180] =	vst v63  }
0x179: {  	s20 =	simm.s32 $0x5980  }
0x17a: {  	[tilespmem:s20], [sflag:$0x1] =	stream.indirect_vreg.gather [hbm4b:s1+s3], $0x80, v3, vm0, $0xb8;
	[tilespmem:$0x18180] =	vst v63  }
0x17b: {  	v3 =	vld [tilespmem:$0x60];
	_ =	sdelay $0x4  }
0x17c: {  	v30 =	vshll.u32 v3, $0x1  }
0x17d: {  	v3 =	vand.u32 $0x7, v3;
	v4 =	vand.u32 $0xFFFFFFF0, v30  }
0x17e: {  	v3 =	vor.u32 v3, v4  }
0x17f: {  	v4 =	vperm.xlane v3, v0;
	_ =	sdelay $0x1  }
0x180: {  	v3 =	vperm.xlane v3, v2;
	v4 =	vadd.s32 v1, v4;
	_ =	sdelay $0x1  }
0x181: {  	v3 =	vadd.s32 v1, v3;
	_ =	sdelay $0x1  }
0x182: {  	s20 =	simm.s32 $0x6180  }
0x183: {  	[tilespmem:s20], [sflag:$0x1] =	stream.indirect_vreg.gather [hbm4b:s1+s3], $0x80, v4, vm0, $0xb8;
	[tilespmem:$0x18180] =	vst v63  }
0x184: {  	s20 =	simm.s32 $0x6980  }
0x185: {  	[tilespmem:s20], [sflag:$0x1] =	stream.indirect_vreg.gather [hbm4b:s1+s3], $0x80, v3, vm0, $0xb8;
	[tilespmem:$0x18180] =	vst v63  }
0x186: {  	v3 =	vld [tilespmem:$0x70];
	_ =	sdelay $0x4  }
0x187: {  	v31 =	vshll.u32 v3, $0x1  }
0x188: {  	v3 =	vand.u32 $0x7, v3;
	v4 =	vand.u32 $0xFFFFFFF0, v31  }
0x189: {  	v3 =	vor.u32 v3, v4  }
0x18a: {  	v4 =	vperm.xlane v3, v0;
	_ =	sdelay $0x1  }
0x18b: {  	v3 =	vperm.xlane v3, v2;
	v4 =	vadd.s32 v1, v4;
	_ =	sdelay $0x1  }
0x18c: {  	v3 =	vadd.s32 v1, v3;
	_ =	sdelay $0x1  }
0x18d: {  	s20 =	simm.s32 $0x7180  }
0x18e: {  	[tilespmem:s20], [sflag:$0x1] =	stream.indirect_vreg.gather [hbm4b:s1+s3], $0x80, v4, vm0, $0xb8;
	[tilespmem:$0x18180] =	vst v63  }
0x18f: {  	s20 =	simm.s32 $0x7980  }
0x190: {  	[tilespmem:s20], [sflag:$0x1] =	stream.indirect_vreg.gather [hbm4b:s1+s3], $0x80, v3, vm0, $0xb8;
	[tilespmem:$0x18180] =	vst v63  }
0x191: {  	_ =	swait.ge [sflag:s16], $0x8000  }
0x192: {  	[sflag:s16] =	ssyncset.done $0x0  }
0x193: {  	s10 =	rddreg [dreg:$0x9];
	[sflag:s16] =	ssyncadd.s32 $0xFFFF8000  }
0x194: {  	[hbm4b:s10+s3] =	stream.linear.scatter [tilespmem:s23], [sflag:$0x5], $0x8000, $0x38;
	[tilespmem:$0x18180] =	vst v63  }
0x195: {  	_ =	swait.ge [sflag:s17], $0x8000  }
0x196: {  	[sflag:s17] =	ssyncset.done $0x0  }
0x197: {  	s10 =	simm.s32 $0x80;
	s20 =	rddreg [dreg:$0xa];
	[sflag:s17] =	ssyncadd.s32 $0xFFFF8000  }
0x198: {  	[tilespmem:s10], [sflag:$0x7] =	stream.linear.gather [hbm4b:s20+s3], $0x80, $0x38;
	[tilespmem:$0x18180] =	vst v63  }
0x199: {  	_ =	swait.ge [sflag:s5], $0x80  }
0x19a: {  	[sflag:s5] =	ssyncset.done $0x0  }
0x19b: {  	[sflag:s5] =	ssyncadd.s32 $0xFFFFFF80  }
0x19c: {  	v3 =	vld [tilespmem:$0x80];
	_ =	sdelay $0x4  }
0x19d: {  	v32 =	vshll.u32 v3, $0x1  }
0x19e: {  	v3 =	vand.u32 $0x7, v3;
	v4 =	vand.u32 $0xFFFFFFF0, v32  }
0x19f: {  	v3 =	vor.u32 v3, v4  }
0x1a0: {  	v4 =	vperm.xlane v3, v0;
	_ =	sdelay $0x1  }
0x1a1: {  	v3 =	vperm.xlane v3, v2;
	v4 =	vadd.s32 v1, v4;
	_ =	sdelay $0x1  }
0x1a2: {  	v3 =	vadd.s32 v1, v3;
	_ =	sdelay $0x2  }
0x1a3: {  	[tilespmem:s23], [sflag:$0x2] =	stream.indirect_vreg.gather [hbm4b:s1+s3], $0x80, v4, vm0, $0xb8;
	[tilespmem:$0x18180] =	vst v63  }
0x1a4: {  	s10 =	simm.s32 $0x8980  }
0x1a5: {  	[tilespmem:s10], [sflag:$0x2] =	stream.indirect_vreg.gather [hbm4b:s1+s3], $0x80, v3, vm0, $0xb8;
	[tilespmem:$0x18180] =	vst v63  }
0x1a6: {  	v3 =	vld [tilespmem:$0x90];
	_ =	sdelay $0x4  }
0x1a7: {  	v33 =	vshll.u32 v3, $0x1  }
0x1a8: {  	v3 =	vand.u32 $0x7, v3;
	v4 =	vand.u32 $0xFFFFFFF0, v33  }
0x1a9: {  	v3 =	vor.u32 v3, v4  }
0x1aa: {  	v4 =	vperm.xlane v3, v0;
	_ =	sdelay $0x1  }
0x1ab: {  	v3 =	vperm.xlane v3, v2;
	v4 =	vadd.s32 v1, v4;
	_ =	sdelay $0x1  }
0x1ac: {  	v3 =	vadd.s32 v1, v3;
	_ =	sdelay $0x1  }
0x1ad: {  	s20 =	simm.s32 $0x9180  }
0x1ae: {  	[tilespmem:s20], [sflag:$0x2] =	stream.indirect_vreg.gather [hbm4b:s1+s3], $0x80, v4, vm0, $0xb8;
	[tilespmem:$0x18180] =	vst v63  }
0x1af: {  	s20 =	simm.s32 $0x9980  }
0x1b0: {  	[tilespmem:s20], [sflag:$0x2] =	stream.indirect_vreg.gather [hbm4b:s1+s3], $0x80, v3, vm0, $0xb8;
	[tilespmem:$0x18180] =	vst v63  }
0x1b1: {  	v3 =	vld [tilespmem:$0xA0];
	_ =	sdelay $0x4  }
0x1b2: {  	v34 =	vshll.u32 v3, $0x1  }
0x1b3: {  	v3 =	vand.u32 $0x7, v3;
	v4 =	vand.u32 $0xFFFFFFF0, v34  }
0x1b4: {  	v3 =	vor.u32 v3, v4  }
0x1b5: {  	v4 =	vperm.xlane v3, v0;
	_ =	sdelay $0x1  }
0x1b6: {  	v3 =	vperm.xlane v3, v2;
	v4 =	vadd.s32 v1, v4;
	_ =	sdelay $0x1  }
0x1b7: {  	v3 =	vadd.s32 v1, v3;
	_ =	sdelay $0x1  }
0x1b8: {  	s20 =	simm.s32 $0xA180  }
0x1b9: {  	[tilespmem:s20], [sflag:$0x2] =	stream.indirect_vreg.gather [hbm4b:s1+s3], $0x80, v4, vm0, $0xb8;
	[tilespmem:$0x18180] =	vst v63  }
0x1ba: {  	s20 =	simm.s32 $0xA980  }
0x1bb: {  	[tilespmem:s20], [sflag:$0x2] =	stream.indirect_vreg.gather [hbm4b:s1+s3], $0x80, v3, vm0, $0xb8;
	[tilespmem:$0x18180] =	vst v63  }
0x1bc: {  	v3 =	vld [tilespmem:$0xB0];
	_ =	sdelay $0x4  }
0x1bd: {  	v35 =	vshll.u32 v3, $0x1  }
0x1be: {  	v3 =	vand.u32 $0x7, v3;
	v4 =	vand.u32 $0xFFFFFFF0, v35  }
0x1bf: {  	v3 =	vor.u32 v3, v4  }
0x1c0: {  	v4 =	vperm.xlane v3, v0;
	_ =	sdelay $0x1  }
0x1c1: {  	v3 =	vperm.xlane v3, v2;
	v4 =	vadd.s32 v1, v4;
	_ =	sdelay $0x1  }
0x1c2: {  	v3 =	vadd.s32 v1, v3;
	_ =	sdelay $0x1  }
0x1c3: {  	s20 =	simm.s32 $0xB180  }
0x1c4: {  	[tilespmem:s20], [sflag:$0x2] =	stream.indirect_vreg.gather [hbm4b:s1+s3], $0x80, v4, vm0, $0xb8;
	[tilespmem:$0x18180] =	vst v63  }
0x1c5: {  	s20 =	simm.s32 $0xB980  }
0x1c6: {  	[tilespmem:s20], [sflag:$0x2] =	stream.indirect_vreg.gather [hbm4b:s1+s3], $0x80, v3, vm0, $0xb8;
	[tilespmem:$0x18180] =	vst v63  }
0x1c7: {  	v3 =	vld [tilespmem:$0xC0];
	_ =	sdelay $0x4  }
0x1c8: {  	v36 =	vshll.u32 v3, $0x1  }
0x1c9: {  	v3 =	vand.u32 $0x7, v3;
	v4 =	vand.u32 $0xFFFFFFF0, v36  }
0x1ca: {  	v3 =	vor.u32 v3, v4  }
0x1cb: {  	v4 =	vperm.xlane v3, v0;
	_ =	sdelay $0x1  }
0x1cc: {  	v3 =	vperm.xlane v3, v2;
	v4 =	vadd.s32 v1, v4;
	_ =	sdelay $0x1  }
0x1cd: {  	v3 =	vadd.s32 v1, v3;
	_ =	sdelay $0x1  }
0x1ce: {  	s20 =	simm.s32 $0xC180  }
0x1cf: {  	[tilespmem:s20], [sflag:$0x2] =	stream.indirect_vreg.gather [hbm4b:s1+s3], $0x80, v4, vm0, $0xb8;
	[tilespmem:$0x18180] =	vst v63  }
0x1d0: {  	s20 =	simm.s32 $0xC980  }
0x1d1: {  	[tilespmem:s20], [sflag:$0x2] =	stream.indirect_vreg.gather [hbm4b:s1+s3], $0x80, v3, vm0, $0xb8;
	[tilespmem:$0x18180] =	vst v63  }
0x1d2: {  	v3 =	vld [tilespmem:$0xD0];
	_ =	sdelay $0x4  }
0x1d3: {  	v37 =	vshll.u32 v3, $0x1  }
0x1d4: {  	v3 =	vand.u32 $0x7, v3;
	v4 =	vand.u32 $0xFFFFFFF0, v37  }
0x1d5: {  	v3 =	vor.u32 v3, v4  }
0x1d6: {  	v4 =	vperm.xlane v3, v0;
	_ =	sdelay $0x1  }
0x1d7: {  	v3 =	vperm.xlane v3, v2;
	v4 =	vadd.s32 v1, v4;
	_ =	sdelay $0x1  }
0x1d8: {  	v3 =	vadd.s32 v1, v3;
	_ =	sdelay $0x1  }
0x1d9: {  	s20 =	simm.s32 $0xD180  }
0x1da: {  	[tilespmem:s20], [sflag:$0x2] =	stream.indirect_vreg.gather [hbm4b:s1+s3], $0x80, v4, vm0, $0xb8;
	[tilespmem:$0x18180] =	vst v63  }
0x1db: {  	s20 =	simm.s32 $0xD980  }
0x1dc: {  	[tilespmem:s20], [sflag:$0x2] =	stream.indirect_vreg.gather [hbm4b:s1+s3], $0x80, v3, vm0, $0xb8;
	[tilespmem:$0x18180] =	vst v63  }
0x1dd: {  	v3 =	vld [tilespmem:$0xE0];
	_ =	sdelay $0x4  }
0x1de: {  	v38 =	vshll.u32 v3, $0x1  }
0x1df: {  	v3 =	vand.u32 $0x7, v3;
	v4 =	vand.u32 $0xFFFFFFF0, v38  }
0x1e0: {  	v3 =	vor.u32 v3, v4  }
0x1e1: {  	v4 =	vperm.xlane v3, v0;
	_ =	sdelay $0x1  }
0x1e2: {  	v3 =	vperm.xlane v3, v2;
	v4 =	vadd.s32 v1, v4;
	_ =	sdelay $0x1  }
0x1e3: {  	v3 =	vadd.s32 v1, v3;
	_ =	sdelay $0x1  }
0x1e4: {  	s20 =	simm.s32 $0xE180  }
0x1e5: {  	[tilespmem:s20], [sflag:$0x2] =	stream.indirect_vreg.gather [hbm4b:s1+s3], $0x80, v4, vm0, $0xb8;
	[tilespmem:$0x18180] =	vst v63  }
0x1e6: {  	s20 =	simm.s32 $0xE980  }
0x1e7: {  	[tilespmem:s20], [sflag:$0x2] =	stream.indirect_vreg.gather [hbm4b:s1+s3], $0x80, v3, vm0, $0xb8;
	[tilespmem:$0x18180] =	vst v63  }
0x1e8: {  	v3 =	vld [tilespmem:$0xF0];
	_ =	sdelay $0x4  }
0x1e9: {  	v39 =	vshll.u32 v3, $0x1  }
0x1ea: {  	v3 =	vand.u32 $0x7, v3;
	v4 =	vand.u32 $0xFFFFFFF0, v39  }
0x1eb: {  	v3 =	vor.u32 v3, v4  }
0x1ec: {  	v4 =	vperm.xlane v3, v0;
	_ =	sdelay $0x1  }
0x1ed: {  	v3 =	vperm.xlane v3, v2;
	v4 =	vadd.s32 v1, v4;
	_ =	sdelay $0x1  }
0x1ee: {  	v3 =	vadd.s32 v1, v3;
	_ =	sdelay $0x1  }
0x1ef: {  	s20 =	simm.s32 $0xF180  }
0x1f0: {  	[tilespmem:s20], [sflag:$0x2] =	stream.indirect_vreg.gather [hbm4b:s1+s3], $0x80, v4, vm0, $0xb8;
	[tilespmem:$0x18180] =	vst v63  }
0x1f1: {  	s20 =	simm.s32 $0xF980  }
0x1f2: {  	[tilespmem:s20], [sflag:$0x2] =	stream.indirect_vreg.gather [hbm4b:s1+s3], $0x80, v3, vm0, $0xb8;
	[tilespmem:$0x18180] =	vst v63  }
0x1f3: {  	_ =	swait.ge [sflag:s18], $0x8000  }
0x1f4: {  	[sflag:s18] =	ssyncset.done $0x0  }
0x1f5: {  	s20 =	rddreg [dreg:$0xb];
	[sflag:s18] =	ssyncadd.s32 $0xFFFF8000  }
0x1f6: {  	[hbm4b:s20+s3] =	stream.linear.scatter [tilespmem:s2], [sflag:$0x6], $0x8000, $0x38;
	[tilespmem:$0x18180] =	vst v63  }
0x1f7: {  	_ =	swait.ge [sflag:s19], $0x8000  }
0x1f8: {  	[sflag:s19] =	ssyncset.done $0x0  }
0x1f9: {  	s20 =	rddreg [dreg:$0xc];
	[sflag:s19] =	ssyncadd.s32 $0xFFFF8000  }
0x1fa: {  	[tilespmem:s0], [sflag:$0x7] =	stream.linear.gather [hbm4b:s20+s3], $0x80, $0x38;
	[tilespmem:$0x18180] =	vst v63  }
0x1fb: {  	_ =	swait.ge [sflag:s5], $0x80  }
0x1fc: {  	[sflag:s5] =	ssyncset.done $0x0  }
0x1fd: {  	[sflag:s5] =	ssyncadd.s32 $0xFFFFFF80  }
0x1fe: {  	v3 =	vld [tilespmem:$0x100];
	_ =	sdelay $0x4  }
0x1ff: {  	v40 =	vshll.u32 v3, $0x1  }
0x200: {  	v3 =	vand.u32 $0x7, v3;
	v4 =	vand.u32 $0xFFFFFFF0, v40  }
0x201: {  	v3 =	vor.u32 v3, v4  }
0x202: {  	v4 =	vperm.xlane v3, v0;
	_ =	sdelay $0x1  }
0x203: {  	v3 =	vperm.xlane v3, v2;
	v4 =	vadd.s32 v1, v4;
	_ =	sdelay $0x1  }
0x204: {  	v3 =	vadd.s32 v1, v3;
	_ =	sdelay $0x2  }
0x205: {  	[tilespmem:s2], [sflag:$0x3] =	stream.indirect_vreg.gather [hbm4b:s1+s3], $0x80, v4, vm0, $0xb8;
	[tilespmem:$0x18180] =	vst v63  }
0x206: {  	_ = 	snop  }
0x207: {  	[tilespmem:s6], [sflag:$0x3] =	stream.indirect_vreg.gather [hbm4b:s1+s3], $0x80, v3, vm0, $0xb8;
	[tilespmem:$0x18180] =	vst v63  }
0x208: {  	v3 =	vld [tilespmem:$0x110];
	_ =	sdelay $0x4  }
0x209: {  	v41 =	vshll.u32 v3, $0x1  }
0x20a: {  	v3 =	vand.u32 $0x7, v3;
	v4 =	vand.u32 $0xFFFFFFF0, v41  }
0x20b: {  	v3 =	vor.u32 v3, v4  }
0x20c: {  	v4 =	vperm.xlane v3, v0;
	_ =	sdelay $0x1  }
0x20d: {  	v3 =	vperm.xlane v3, v2;
	v4 =	vadd.s32 v1, v4;
	_ =	sdelay $0x1  }
0x20e: {  	v3 =	vadd.s32 v1, v3;
	_ =	sdelay $0x2  }
0x20f: {  	[tilespmem:s13], [sflag:$0x3] =	stream.indirect_vreg.gather [hbm4b:s1+s3], $0x80, v4, vm0, $0xb8;
	[tilespmem:$0x18180] =	vst v63  }
0x210: {  	_ = 	snop  }
0x211: {  	[tilespmem:s7], [sflag:$0x3] =	stream.indirect_vreg.gather [hbm4b:s1+s3], $0x80, v3, vm0, $0xb8;
	[tilespmem:$0x18180] =	vst v63  }
0x212: {  	v3 =	vld [tilespmem:$0x120];
	_ =	sdelay $0x4  }
0x213: {  	v42 =	vshll.u32 v3, $0x1  }
0x214: {  	v3 =	vand.u32 $0x7, v3;
	v4 =	vand.u32 $0xFFFFFFF0, v42  }
0x215: {  	v3 =	vor.u32 v3, v4  }
0x216: {  	v4 =	vperm.xlane v3, v0;
	_ =	sdelay $0x1  }
0x217: {  	v3 =	vperm.xlane v3, v2;
	v4 =	vadd.s32 v1, v4;
	_ =	sdelay $0x1  }
0x218: {  	v3 =	vadd.s32 v1, v3;
	_ =	sdelay $0x2  }
0x219: {  	[tilespmem:s8], [sflag:$0x3] =	stream.indirect_vreg.gather [hbm4b:s1+s3], $0x80, v4, vm0, $0xb8;
	[tilespmem:$0x18180] =	vst v63  }
0x21a: {  	_ = 	snop  }
0x21b: {  	[tilespmem:s9], [sflag:$0x3] =	stream.indirect_vreg.gather [hbm4b:s1+s3], $0x80, v3, vm0, $0xb8;
	[tilespmem:$0x18180] =	vst v63  }
0x21c: {  	v3 =	vld [tilespmem:$0x130];
	_ =	sdelay $0x4  }
0x21d: {  	v43 =	vshll.u32 v3, $0x1  }
0x21e: {  	v3 =	vand.u32 $0x7, v3;
	v4 =	vand.u32 $0xFFFFFFF0, v43  }
0x21f: {  	v3 =	vor.u32 v3, v4  }
0x220: {  	v4 =	vperm.xlane v3, v0;
	_ =	sdelay $0x1  }
0x221: {  	v3 =	vperm.xlane v3, v2;
	v4 =	vadd.s32 v1, v4;
	_ =	sdelay $0x1  }
0x222: {  	v3 =	vadd.s32 v1, v3;
	_ =	sdelay $0x2  }
0x223: {  	[tilespmem:s11], [sflag:$0x3] =	stream.indirect_vreg.gather [hbm4b:s1+s3], $0x80, v4, vm0, $0xb8;
	[tilespmem:$0x18180] =	vst v63  }
0x224: {  	_ = 	snop  }
0x225: {  	[tilespmem:s12], [sflag:$0x3] =	stream.indirect_vreg.gather [hbm4b:s1+s3], $0x80, v3, vm0, $0xb8;
	[tilespmem:$0x18180] =	vst v63  }
0x226: {  	v3 =	vld [tilespmem:$0x140];
	_ =	sdelay $0x4  }
0x227: {  	v44 =	vshll.u32 v3, $0x1  }
0x228: {  	v3 =	vand.u32 $0x7, v3;
	v4 =	vand.u32 $0xFFFFFFF0, v44  }
0x229: {  	v3 =	vor.u32 v3, v4  }
0x22a: {  	v4 =	vperm.xlane v3, v0;
	_ =	sdelay $0x1  }
0x22b: {  	v3 =	vperm.xlane v3, v2;
	v4 =	vadd.s32 v1, v4;
	_ =	sdelay $0x1  }
0x22c: {  	v3 =	vadd.s32 v1, v3;
	_ =	sdelay $0x2  }
0x22d: {  	[tilespmem:s21], [sflag:$0x3] =	stream.indirect_vreg.gather [hbm4b:s1+s3], $0x80, v4, vm0, $0xb8;
	[tilespmem:$0x18180] =	vst v63  }
0x22e: {  	_ = 	snop  }
0x22f: {  	[tilespmem:s22], [sflag:$0x3] =	stream.indirect_vreg.gather [hbm4b:s1+s3], $0x80, v3, vm0, $0xb8;
	[tilespmem:$0x18180] =	vst v63  }
0x230: {  	v3 =	vld [tilespmem:$0x150];
	_ =	sdelay $0x4  }
0x231: {  	v45 =	vshll.u32 v3, $0x1  }
0x232: {  	v3 =	vand.u32 $0x7, v3;
	v4 =	vand.u32 $0xFFFFFFF0, v45  }
0x233: {  	v3 =	vor.u32 v3, v4  }
0x234: {  	v4 =	vperm.xlane v3, v0;
	_ =	sdelay $0x1  }
0x235: {  	v3 =	vperm.xlane v3, v2;
	v4 =	vadd.s32 v1, v4;
	_ =	sdelay $0x1  }
0x236: {  	v3 =	vadd.s32 v1, v3;
	_ =	sdelay $0x2  }
0x237: {  	[tilespmem:s24], [sflag:$0x3] =	stream.indirect_vreg.gather [hbm4b:s1+s3], $0x80, v4, vm0, $0xb8;
	[tilespmem:$0x18180] =	vst v63  }
0x238: {  	_ = 	snop  }
0x239: {  	[tilespmem:s25], [sflag:$0x3] =	stream.indirect_vreg.gather [hbm4b:s1+s3], $0x80, v3, vm0, $0xb8;
	[tilespmem:$0x18180] =	vst v63  }
0x23a: {  	v3 =	vld [tilespmem:$0x160];
	_ =	sdelay $0x4  }
0x23b: {  	v46 =	vshll.u32 v3, $0x1  }
0x23c: {  	v3 =	vand.u32 $0x7, v3;
	v4 =	vand.u32 $0xFFFFFFF0, v46  }
0x23d: {  	v3 =	vor.u32 v3, v4  }
0x23e: {  	v4 =	vperm.xlane v3, v0;
	_ =	sdelay $0x1  }
0x23f: {  	v3 =	vperm.xlane v3, v2;
	v4 =	vadd.s32 v1, v4;
	_ =	sdelay $0x1  }
0x240: {  	v3 =	vadd.s32 v1, v3;
	_ =	sdelay $0x2  }
0x241: {  	[tilespmem:s26], [sflag:$0x3] =	stream.indirect_vreg.gather [hbm4b:s1+s3], $0x80, v4, vm0, $0xb8;
	[tilespmem:$0x18180] =	vst v63  }
0x242: {  	_ = 	snop  }
0x243: {  	[tilespmem:s28], [sflag:$0x3] =	stream.indirect_vreg.gather [hbm4b:s1+s3], $0x80, v3, vm0, $0xb8;
	[tilespmem:$0x18180] =	vst v63  }
0x244: {  	v3 =	vld [tilespmem:$0x170];
	_ =	sdelay $0x4  }
0x245: {  	v47 =	vshll.u32 v3, $0x1  }
0x246: {  	v3 =	vand.u32 $0x7, v3;
	v4 =	vand.u32 $0xFFFFFFF0, v47  }
0x247: {  	v3 =	vor.u32 v3, v4  }
0x248: {  	v4 =	vperm.xlane v3, v0;
	_ =	sdelay $0x1  }
0x249: {  	v3 =	vperm.xlane v3, v2;
	v4 =	vadd.s32 v1, v4;
	_ =	sdelay $0x1  }
0x24a: {  	v3 =	vadd.s32 v1, v3;
	_ =	sdelay $0x2  }
0x24b: {  	[tilespmem:s29], [sflag:$0x3] =	stream.indirect_vreg.gather [hbm4b:s1+s3], $0x80, v4, vm0, $0xb8;
	[tilespmem:$0x18180] =	vst v63  }
0x24c: {  	_ = 	snop  }
0x24d: {  	[tilespmem:s30], [sflag:$0x3] =	stream.indirect_vreg.gather [hbm4b:s1+s3], $0x80, v3, vm0, $0xb8;
	[tilespmem:$0x18180] =	vst v63  }
0x24e: {  	_ =	swait.ge [sflag:s14], $0x8000  }
0x24f: {  	[sflag:s14] =	ssyncset.done $0x0  }
0x250: {  	s0 =	rddreg [dreg:$0xd];
	[sflag:s14] =	ssyncadd.s32 $0xFFFF8000  }
0x251: {  	[hbm4b:s0+s3] =	stream.linear.scatter [tilespmem:s31], [sflag:$0x4], $0x8000, $0x38;
	[tilespmem:$0x18180] =	vst v63  }
0x252: {  	_ =	swait.ge [sflag:s15], $0x8000  }
0x253: {  	[sflag:s15] =	ssyncset.done $0x0  }
0x254: {  	s0 =	rddreg [dreg:$0xe];
	[sflag:s15] =	ssyncadd.s32 $0xFFFF8000  }
0x255: {  	[tilespmem:s3], [sflag:$0x7] =	stream.linear.gather [hbm4b:s0+s3], $0x80, $0x38;
	[tilespmem:$0x18180] =	vst v63  }
0x256: {  	_ =	swait.ge [sflag:s5], $0x80  }
0x257: {  	[sflag:s5] =	ssyncset.done $0x0  }
0x258: {  	[sflag:s5] =	ssyncadd.s32 $0xFFFFFF80  }
0x259: {  	v3 =	vld [tilespmem:$0x0];
	_ =	sdelay $0x4  }
0x25a: {  	v48 =	vshll.u32 v3, $0x1  }
0x25b: {  	v3 =	vand.u32 $0x7, v3;
	v4 =	vand.u32 $0xFFFFFFF0, v48  }
0x25c: {  	v3 =	vor.u32 v3, v4  }
0x25d: {  	v4 =	vperm.xlane v3, v0;
	_ =	sdelay $0x1  }
0x25e: {  	v3 =	vperm.xlane v3, v2;
	v4 =	vadd.s32 v1, v4;
	_ =	sdelay $0x1  }
0x25f: {  	v3 =	vadd.s32 v1, v3;
	_ =	sdelay $0x2  }
0x260: {  	[tilespmem:s31], [sflag:$0x1] =	stream.indirect_vreg.gather [hbm4b:s1+s3], $0x80, v4, vm0, $0xb8;
	[tilespmem:$0x18180] =	vst v63  }
0x261: {  	s20 =	simm.s32 $0x980  }
0x262: {  	[tilespmem:s20], [sflag:$0x1] =	stream.indirect_vreg.gather [hbm4b:s1+s3], $0x80, v3, vm0, $0xb8;
	[tilespmem:$0x18180] =	vst v63  }
0x263: {  	v3 =	vld [tilespmem:$0x10];
	_ =	sdelay $0x4  }
0x264: {  	v49 =	vshll.u32 v3, $0x1  }
0x265: {  	v3 =	vand.u32 $0x7, v3;
	v4 =	vand.u32 $0xFFFFFFF0, v49  }
0x266: {  	v3 =	vor.u32 v3, v4  }
0x267: {  	v4 =	vperm.xlane v3, v0;
	_ =	sdelay $0x1  }
0x268: {  	v3 =	vperm.xlane v3, v2;
	v4 =	vadd.s32 v1, v4;
	_ =	sdelay $0x1  }
0x269: {  	v3 =	vadd.s32 v1, v3;
	_ =	sdelay $0x1  }
0x26a: {  	s20 =	simm.s32 $0x1180  }
0x26b: {  	[tilespmem:s20], [sflag:$0x1] =	stream.indirect_vreg.gather [hbm4b:s1+s3], $0x80, v4, vm0, $0xb8;
	[tilespmem:$0x18180] =	vst v63  }
0x26c: {  	s20 =	simm.s32 $0x1980  }
0x26d: {  	[tilespmem:s20], [sflag:$0x1] =	stream.indirect_vreg.gather [hbm4b:s1+s3], $0x80, v3, vm0, $0xb8;
	[tilespmem:$0x18180] =	vst v63  }
0x26e: {  	v3 =	vld [tilespmem:$0x20];
	_ =	sdelay $0x4  }
0x26f: {  	v50 =	vshll.u32 v3, $0x1  }
0x270: {  	v3 =	vand.u32 $0x7, v3;
	v4 =	vand.u32 $0xFFFFFFF0, v50  }
0x271: {  	v3 =	vor.u32 v3, v4  }
0x272: {  	v4 =	vperm.xlane v3, v0;
	_ =	sdelay $0x1  }
0x273: {  	v3 =	vperm.xlane v3, v2;
	v4 =	vadd.s32 v1, v4;
	_ =	sdelay $0x1  }
0x274: {  	v3 =	vadd.s32 v1, v3;
	_ =	sdelay $0x1  }
0x275: {  	s20 =	simm.s32 $0x2180  }
0x276: {  	[tilespmem:s20], [sflag:$0x1] =	stream.indirect_vreg.gather [hbm4b:s1+s3], $0x80, v4, vm0, $0xb8;
	[tilespmem:$0x18180] =	vst v63  }
0x277: {  	s20 =	simm.s32 $0x2980  }
0x278: {  	[tilespmem:s20], [sflag:$0x1] =	stream.indirect_vreg.gather [hbm4b:s1+s3], $0x80, v3, vm0, $0xb8;
	[tilespmem:$0x18180] =	vst v63  }
0x279: {  	v3 =	vld [tilespmem:$0x30];
	_ =	sdelay $0x4  }
0x27a: {  	v51 =	vshll.u32 v3, $0x1  }
0x27b: {  	v3 =	vand.u32 $0x7, v3;
	v4 =	vand.u32 $0xFFFFFFF0, v51  }
0x27c: {  	v3 =	vor.u32 v3, v4  }
0x27d: {  	v4 =	vperm.xlane v3, v0;
	_ =	sdelay $0x1  }
0x27e: {  	v3 =	vperm.xlane v3, v2;
	v4 =	vadd.s32 v1, v4;
	_ =	sdelay $0x1  }
0x27f: {  	v3 =	vadd.s32 v1, v3;
	_ =	sdelay $0x1  }
0x280: {  	s20 =	simm.s32 $0x3180  }
0x281: {  	[tilespmem:s20], [sflag:$0x1] =	stream.indirect_vreg.gather [hbm4b:s1+s3], $0x80, v4, vm0, $0xb8;
	[tilespmem:$0x18180] =	vst v63  }
0x282: {  	s20 =	simm.s32 $0x3980  }
0x283: {  	[tilespmem:s20], [sflag:$0x1] =	stream.indirect_vreg.gather [hbm4b:s1+s3], $0x80, v3, vm0, $0xb8;
	[tilespmem:$0x18180] =	vst v63  }
0x284: {  	v3 =	vld [tilespmem:$0x40];
	_ =	sdelay $0x4  }
0x285: {  	v52 =	vshll.u32 v3, $0x1  }
0x286: {  	v3 =	vand.u32 $0x7, v3;
	v4 =	vand.u32 $0xFFFFFFF0, v52  }
0x287: {  	v3 =	vor.u32 v3, v4  }
0x288: {  	v4 =	vperm.xlane v3, v0;
	_ =	sdelay $0x1  }
0x289: {  	v3 =	vperm.xlane v3, v2;
	v4 =	vadd.s32 v1, v4;
	_ =	sdelay $0x1  }
0x28a: {  	v3 =	vadd.s32 v1, v3;
	_ =	sdelay $0x1  }
0x28b: {  	s20 =	simm.s32 $0x4180  }
0x28c: {  	[tilespmem:s20], [sflag:$0x1] =	stream.indirect_vreg.gather [hbm4b:s1+s3], $0x80, v4, vm0, $0xb8;
	[tilespmem:$0x18180] =	vst v63  }
0x28d: {  	s20 =	simm.s32 $0x4980  }
0x28e: {  	[tilespmem:s20], [sflag:$0x1] =	stream.indirect_vreg.gather [hbm4b:s1+s3], $0x80, v3, vm0, $0xb8;
	[tilespmem:$0x18180] =	vst v63  }
0x28f: {  	v3 =	vld [tilespmem:$0x50];
	_ =	sdelay $0x4  }
0x290: {  	v53 =	vshll.u32 v3, $0x1  }
0x291: {  	v3 =	vand.u32 $0x7, v3;
	v4 =	vand.u32 $0xFFFFFFF0, v53  }
0x292: {  	v3 =	vor.u32 v3, v4  }
0x293: {  	v4 =	vperm.xlane v3, v0;
	_ =	sdelay $0x1  }
0x294: {  	v3 =	vperm.xlane v3, v2;
	v4 =	vadd.s32 v1, v4;
	_ =	sdelay $0x1  }
0x295: {  	v3 =	vadd.s32 v1, v3;
	_ =	sdelay $0x1  }
0x296: {  	s20 =	simm.s32 $0x5180  }
0x297: {  	[tilespmem:s20], [sflag:$0x1] =	stream.indirect_vreg.gather [hbm4b:s1+s3], $0x80, v4, vm0, $0xb8;
	[tilespmem:$0x18180] =	vst v63  }
0x298: {  	s20 =	simm.s32 $0x5980  }
0x299: {  	[tilespmem:s20], [sflag:$0x1] =	stream.indirect_vreg.gather [hbm4b:s1+s3], $0x80, v3, vm0, $0xb8;
	[tilespmem:$0x18180] =	vst v63  }
0x29a: {  	v3 =	vld [tilespmem:$0x60];
	_ =	sdelay $0x4  }
0x29b: {  	v54 =	vshll.u32 v3, $0x1  }
0x29c: {  	v3 =	vand.u32 $0x7, v3;
	v4 =	vand.u32 $0xFFFFFFF0, v54  }
0x29d: {  	v3 =	vor.u32 v3, v4  }
0x29e: {  	v4 =	vperm.xlane v3, v0;
	_ =	sdelay $0x1  }
0x29f: {  	v3 =	vperm.xlane v3, v2;
	v4 =	vadd.s32 v1, v4;
	_ =	sdelay $0x1  }
0x2a0: {  	v3 =	vadd.s32 v1, v3;
	_ =	sdelay $0x1  }
0x2a1: {  	s20 =	simm.s32 $0x6180  }
0x2a2: {  	[tilespmem:s20], [sflag:$0x1] =	stream.indirect_vreg.gather [hbm4b:s1+s3], $0x80, v4, vm0, $0xb8;
	[tilespmem:$0x18180] =	vst v63  }
0x2a3: {  	s20 =	simm.s32 $0x6980  }
0x2a4: {  	[tilespmem:s20], [sflag:$0x1] =	stream.indirect_vreg.gather [hbm4b:s1+s3], $0x80, v3, vm0, $0xb8;
	[tilespmem:$0x18180] =	vst v63  }
0x2a5: {  	v3 =	vld [tilespmem:$0x70];
	_ =	sdelay $0x4  }
0x2a6: {  	v55 =	vshll.u32 v3, $0x1  }
0x2a7: {  	v3 =	vand.u32 $0x7, v3;
	v4 =	vand.u32 $0xFFFFFFF0, v55  }
0x2a8: {  	v3 =	vor.u32 v3, v4  }
0x2a9: {  	v4 =	vperm.xlane v3, v0;
	_ =	sdelay $0x1  }
0x2aa: {  	v3 =	vperm.xlane v3, v2;
	v4 =	vadd.s32 v1, v4;
	_ =	sdelay $0x1  }
0x2ab: {  	v3 =	vadd.s32 v1, v3;
	_ =	sdelay $0x1  }
0x2ac: {  	s20 =	simm.s32 $0x7180  }
0x2ad: {  	[tilespmem:s20], [sflag:$0x1] =	stream.indirect_vreg.gather [hbm4b:s1+s3], $0x80, v4, vm0, $0xb8;
	[tilespmem:$0x18180] =	vst v63  }
0x2ae: {  	s20 =	simm.s32 $0x7980  }
0x2af: {  	[tilespmem:s20], [sflag:$0x1] =	stream.indirect_vreg.gather [hbm4b:s1+s3], $0x80, v3, vm0, $0xb8;
	[tilespmem:$0x18180] =	vst v63  }
0x2b0: {  	_ =	swait.ge [sflag:s16], $0x8000  }
0x2b1: {  	[sflag:s16] =	ssyncset.done $0x0  }
0x2b2: {  	s0 =	rddreg [dreg:$0xf];
	[sflag:s16] =	ssyncadd.s32 $0xFFFF8000  }
0x2b3: {  	[hbm4b:s0+s3] =	stream.linear.scatter [tilespmem:s23], [sflag:$0x5], $0x8000, $0x38;
	[tilespmem:$0x18180] =	vst v63  }
0x2b4: {  	_ =	swait.ge [sflag:s17], $0x8000  }
0x2b5: {  	[sflag:s17] =	ssyncset.done $0x0  }
0x2b6: {  	s0 =	simm.s32 $0x80;
	s20 =	rddreg [dreg:$0x10];
	[sflag:s17] =	ssyncadd.s32 $0xFFFF8000  }
0x2b7: {  	[tilespmem:s0], [sflag:$0x7] =	stream.linear.gather [hbm4b:s20+s3], $0x80, $0x38;
	[tilespmem:$0x18180] =	vst v63  }
0x2b8: {  	_ =	swait.ge [sflag:s5], $0x80  }
0x2b9: {  	[sflag:s5] =	ssyncset.done $0x0  }
0x2ba: {  	[sflag:s5] =	ssyncadd.s32 $0xFFFFFF80  }
0x2bb: {  	v3 =	vld [tilespmem:$0x80];
	_ =	sdelay $0x4  }
0x2bc: {  	v56 =	vshll.u32 v3, $0x1  }
0x2bd: {  	v3 =	vand.u32 $0x7, v3;
	v4 =	vand.u32 $0xFFFFFFF0, v56  }
0x2be: {  	v3 =	vor.u32 v3, v4  }
0x2bf: {  	v4 =	vperm.xlane v3, v0;
	_ =	sdelay $0x1  }
0x2c0: {  	v3 =	vperm.xlane v3, v2;
	v4 =	vadd.s32 v1, v4;
	_ =	sdelay $0x1  }
0x2c1: {  	v3 =	vadd.s32 v1, v3;
	_ =	sdelay $0x2  }
0x2c2: {  	[tilespmem:s23], [sflag:$0x2] =	stream.indirect_vreg.gather [hbm4b:s1+s3], $0x80, v4, vm0, $0xb8;
	[tilespmem:$0x18180] =	vst v63  }
0x2c3: {  	_ = 	snop  }
0x2c4: {  	[tilespmem:s10], [sflag:$0x2] =	stream.indirect_vreg.gather [hbm4b:s1+s3], $0x80, v3, vm0, $0xb8;
	[tilespmem:$0x18180] =	vst v63  }
0x2c5: {  	v3 =	vld [tilespmem:$0x90];
	_ =	sdelay $0x4  }
0x2c6: {  	v57 =	vshll.u32 v3, $0x1  }
0x2c7: {  	v3 =	vand.u32 $0x7, v3;
	v4 =	vand.u32 $0xFFFFFFF0, v57  }
0x2c8: {  	v3 =	vor.u32 v3, v4  }
0x2c9: {  	v4 =	vperm.xlane v3, v0;
	_ =	sdelay $0x1  }
0x2ca: {  	v3 =	vperm.xlane v3, v2;
	v4 =	vadd.s32 v1, v4;
	_ =	sdelay $0x1  }
0x2cb: {  	v3 =	vadd.s32 v1, v3;
	_ =	sdelay $0x1  }
0x2cc: {  	s10 =	simm.s32 $0x9180  }
0x2cd: {  	[tilespmem:s10], [sflag:$0x2] =	stream.indirect_vreg.gather [hbm4b:s1+s3], $0x80, v4, vm0, $0xb8;
	[tilespmem:$0x18180] =	vst v63  }
0x2ce: {  	s20 =	simm.s32 $0x9980  }
0x2cf: {  	[tilespmem:s20], [sflag:$0x2] =	stream.indirect_vreg.gather [hbm4b:s1+s3], $0x80, v3, vm0, $0xb8;
	[tilespmem:$0x18180] =	vst v63  }
0x2d0: {  	v3 =	vld [tilespmem:$0xA0];
	_ =	sdelay $0x4  }
0x2d1: {  	v58 =	vshll.u32 v3, $0x1  }
0x2d2: {  	v3 =	vand.u32 $0x7, v3;
	v4 =	vand.u32 $0xFFFFFFF0, v58  }
0x2d3: {  	v3 =	vor.u32 v3, v4  }
0x2d4: {  	v4 =	vperm.xlane v3, v0;
	_ =	sdelay $0x1  }
0x2d5: {  	v3 =	vperm.xlane v3, v2;
	v4 =	vadd.s32 v1, v4;
	_ =	sdelay $0x1  }
0x2d6: {  	v3 =	vadd.s32 v1, v3;
	_ =	sdelay $0x1  }
0x2d7: {  	s10 =	simm.s32 $0xA180  }
0x2d8: {  	[tilespmem:s10], [sflag:$0x2] =	stream.indirect_vreg.gather [hbm4b:s1+s3], $0x80, v4, vm0, $0xb8;
	[tilespmem:$0x18180] =	vst v63  }
0x2d9: {  	s20 =	simm.s32 $0xA980  }
0x2da: {  	[tilespmem:s20], [sflag:$0x2] =	stream.indirect_vreg.gather [hbm4b:s1+s3], $0x80, v3, vm0, $0xb8;
	[tilespmem:$0x18180] =	vst v63  }
0x2db: {  	v3 =	vld [tilespmem:$0xB0];
	_ =	sdelay $0x4  }
0x2dc: {  	v59 =	vshll.u32 v3, $0x1  }
0x2dd: {  	v3 =	vand.u32 $0x7, v3;
	v4 =	vand.u32 $0xFFFFFFF0, v59  }
0x2de: {  	v3 =	vor.u32 v3, v4  }
0x2df: {  	v4 =	vperm.xlane v3, v0;
	_ =	sdelay $0x1  }
0x2e0: {  	v3 =	vperm.xlane v3, v2;
	v4 =	vadd.s32 v1, v4;
	_ =	sdelay $0x1  }
0x2e1: {  	v3 =	vadd.s32 v1, v3;
	_ =	sdelay $0x1  }
0x2e2: {  	s10 =	simm.s32 $0xB180  }
0x2e3: {  	[tilespmem:s10], [sflag:$0x2] =	stream.indirect_vreg.gather [hbm4b:s1+s3], $0x80, v4, vm0, $0xb8;
	[tilespmem:$0x18180] =	vst v63  }
0x2e4: {  	s20 =	simm.s32 $0xB980  }
0x2e5: {  	[tilespmem:s20], [sflag:$0x2] =	stream.indirect_vreg.gather [hbm4b:s1+s3], $0x80, v3, vm0, $0xb8;
	[tilespmem:$0x18180] =	vst v63  }
0x2e6: {  	v3 =	vld [tilespmem:$0xC0];
	_ =	sdelay $0x4  }
0x2e7: {  	v60 =	vshll.u32 v3, $0x1  }
0x2e8: {  	v3 =	vand.u32 $0x7, v3;
	v4 =	vand.u32 $0xFFFFFFF0, v60  }
0x2e9: {  	v3 =	vor.u32 v3, v4  }
0x2ea: {  	v4 =	vperm.xlane v3, v0;
	_ =	sdelay $0x1  }
0x2eb: {  	v3 =	vperm.xlane v3, v2;
	v4 =	vadd.s32 v1, v4;
	_ =	sdelay $0x1  }
0x2ec: {  	v3 =	vadd.s32 v1, v3;
	_ =	sdelay $0x1  }
0x2ed: {  	s10 =	simm.s32 $0xC180  }
0x2ee: {  	[tilespmem:s10], [sflag:$0x2] =	stream.indirect_vreg.gather [hbm4b:s1+s3], $0x80, v4, vm0, $0xb8;
	[tilespmem:$0x18180] =	vst v63  }
0x2ef: {  	s20 =	simm.s32 $0xC980  }
0x2f0: {  	[tilespmem:s20], [sflag:$0x2] =	stream.indirect_vreg.gather [hbm4b:s1+s3], $0x80, v3, vm0, $0xb8;
	[tilespmem:$0x18180] =	vst v63  }
0x2f1: {  	v3 =	vld [tilespmem:$0xD0];
	_ =	sdelay $0x4  }
0x2f2: {  	v61 =	vshll.u32 v3, $0x1  }
0x2f3: {  	v3 =	vand.u32 $0x7, v3;
	v4 =	vand.u32 $0xFFFFFFF0, v61  }
0x2f4: {  	v3 =	vor.u32 v3, v4  }
0x2f5: {  	v4 =	vperm.xlane v3, v0;
	_ =	sdelay $0x1  }
0x2f6: {  	v3 =	vperm.xlane v3, v2;
	v4 =	vadd.s32 v1, v4;
	_ =	sdelay $0x1  }
0x2f7: {  	v3 =	vadd.s32 v1, v3;
	_ =	sdelay $0x1  }
0x2f8: {  	s10 =	simm.s32 $0xD180  }
0x2f9: {  	[tilespmem:s10], [sflag:$0x2] =	stream.indirect_vreg.gather [hbm4b:s1+s3], $0x80, v4, vm0, $0xb8;
	[tilespmem:$0x18180] =	vst v63  }
0x2fa: {  	s20 =	simm.s32 $0xD980  }
0x2fb: {  	[tilespmem:s20], [sflag:$0x2] =	stream.indirect_vreg.gather [hbm4b:s1+s3], $0x80, v3, vm0, $0xb8;
	[tilespmem:$0x18180] =	vst v63  }
0x2fc: {  	v3 =	vld [tilespmem:$0xE0];
	_ =	sdelay $0x4  }
0x2fd: {  	v62 =	vshll.u32 v3, $0x1  }
0x2fe: {  	v3 =	vand.u32 $0x7, v3;
	v4 =	vand.u32 $0xFFFFFFF0, v62  }
0x2ff: {  	v3 =	vor.u32 v3, v4  }
0x300: {  	v4 =	vperm.xlane v3, v0;
	_ =	sdelay $0x1  }
0x301: {  	v3 =	vperm.xlane v3, v2;
	v4 =	vadd.s32 v1, v4;
	_ =	sdelay $0x1  }
0x302: {  	v3 =	vadd.s32 v1, v3;
	_ =	sdelay $0x1  }
0x303: {  	s10 =	simm.s32 $0xE180  }
0x304: {  	[tilespmem:s10], [sflag:$0x2] =	stream.indirect_vreg.gather [hbm4b:s1+s3], $0x80, v4, vm0, $0xb8;
	[tilespmem:$0x18180] =	vst v63  }
0x305: {  	s20 =	simm.s32 $0xE980  }
0x306: {  	[tilespmem:s20], [sflag:$0x2] =	stream.indirect_vreg.gather [hbm4b:s1+s3], $0x80, v3, vm0, $0xb8;
	[tilespmem:$0x18180] =	vst v63  }
0x307: {  	v3 =	vld [tilespmem:$0xF0];
	_ =	sdelay $0x4  }
0x308: {  	v63 =	vshll.u32 v3, $0x1  }
0x309: {  	v3 =	vand.u32 $0x7, v3;
	v4 =	vand.u32 $0xFFFFFFF0, v63  }
0x30a: {  	v3 =	vor.u32 v3, v4  }
0x30b: {  	v4 =	vperm.xlane v3, v0;
	_ =	sdelay $0x1  }
0x30c: {  	v3 =	vperm.xlane v3, v2;
	v4 =	vadd.s32 v1, v4;
	_ =	sdelay $0x1  }
0x30d: {  	v3 =	vadd.s32 v1, v3;
	_ =	sdelay $0x1  }
0x30e: {  	s10 =	simm.s32 $0xF180  }
0x30f: {  	[tilespmem:s10], [sflag:$0x2] =	stream.indirect_vreg.gather [hbm4b:s1+s3], $0x80, v4, vm0, $0xb8;
	[tilespmem:$0x18180] =	vst v63  }
0x310: {  	s20 =	simm.s32 $0xF980  }
0x311: {  	[tilespmem:s20], [sflag:$0x2] =	stream.indirect_vreg.gather [hbm4b:s1+s3], $0x80, v3, vm0, $0xb8;
	[tilespmem:$0x18180] =	vst v63  }
0x312: {  	_ =	swait.ge [sflag:s18], $0x8000  }
0x313: {  	[sflag:s18] =	ssyncset.done $0x0  }
0x314: {  	s10 =	rddreg [dreg:$0x11];
	[sflag:s18] =	ssyncadd.s32 $0xFFFF8000  }
0x315: {  	[hbm4b:s10+s3] =	stream.linear.scatter [tilespmem:s2], [sflag:$0x6], $0x8000, $0x38;
	[tilespmem:$0x18180] =	vst v63  }
0x316: {  	_ =	swait.ge [sflag:s14], $0x8000  }
0x317: {  	[sflag:s14] =	ssyncset.done $0x0  }
0x318: {  	s0 =	rddreg [dreg:$0x12];
	[sflag:s14] =	ssyncadd.s32 $0xFFFF8000  }
0x319: {  	[hbm4b:s0+s3] =	stream.linear.scatter [tilespmem:s31], [sflag:$0x4], $0x8000, $0x38;
	[tilespmem:$0x18180] =	vst v63  }
0x31a: {  	_ =	swait.ge [sflag:s16], $0x8000  }
0x31b: {  	[sflag:s16] =	ssyncset.done $0x0  }
0x31c: {  	s10 =	rddreg [dreg:$0x13];
	[sflag:s16] =	ssyncadd.s32 $0xFFFF8000  }
0x31d: {  	[hbm4b:s10+s3] =	stream.linear.scatter [tilespmem:s23], [sflag:$0x5], $0x8000, $0x38;
	[tilespmem:$0x18180] =	vst v63  }
0x31e: {  	_ =	swait.ge [sflag:s19], $0x8000  }
0x31f: {  	[sflag:s19] =	ssyncset.done $0x0  }
0x320: {  	[sflag:s19] =	ssyncadd.s32 $0xFFFF8000  }
0x321: {  	p0 =	sne.s32 s4, $0x1;
	_ =	swait.ge [sflag:s15], $0x8000  }
.Ltmp0:
0x322: {  	[sflag:s15] =	ssyncset.done $0x0;
	(pc) =	sbr.rel @p0 .LBB2_1-.Ltmp0, $4  }
0x323: {  	[sflag:s15] =	ssyncadd.s32 $0xFFFF8000  }
0x324: {  	_ =	swait.ge [sflag:s17], $0x8000  }
0x325: {  	[sflag:s17] =	ssyncset.done $0x0  }
0x326: {  	s4 =	sadd.s32 $0xFFFFFFFF, s4;
	[sflag:s17] =	ssyncadd.s32 $0xFFFF8000  }
0x327: {  	_ =	sfence.sel $0x180000  }
0x328: {  	[bflag:$0x0] =	sbarrier.arrive $0xFFFF  }
0x329: {  	_ =	strace $0x90000047  }
0x32a: {  	s0 =	stileid.u32;
	[bflag:$0x2] =	sbarrier.arrive $0xFFFF  }
0x32b: {  	p0 =	sne.s32 s0, $0x0;
	s0 =	rddreg [dreg:$0x3]  }
0x32c: {  	s0 =	sadd.s32 @!p0 $0x100000, s0  }
0x32d: {  	[sflag:s0] =	ssyncadd.tile.s32 @!p0 $0x1;
	_ =	shalt  }
.Lfunc_end2:
_tile_overlayer_lowered:
.L_overlay_start_2:
0x32e: {  	(tag) =	ssettag $0x2  }
0x32f: {  	s0 =	rddreg [dreg:$0x0];
	s2 =	stileid.u32  }
0x330: {  	s1 =	rddreg [dreg:$0x1];
	p0 =	sne.s32 s2, $0x0  }
0x331: {  	s3 =	rddreg [dreg:$0x2];
	[bflag:$0x3] =	sbarrier.arrive $0xFFFF;
	s2 =	simm.s32 @!p0 $0x1C07  }
0x332: {  	[timem:s3], [sflag:s2] =	dma.local @!p0 [hbm:s0], s1  }
0x333: {  	s0 =	simm.s32 @!p0 $0x7  }
0x334: {  	_ =	swait.ge @!p0 [sflag:s0], s1  }
0x335: {  	s1 =	ssub.s32 @!p0 $0x0, s1;
	[sflag:s0] =	ssyncset.done @!p0 $0x0  }
0x336: {  	[sflag:s0] =	ssyncadd.s32 @!p0 s1  }
0x337: {  	[bflag:$0x3] =	sbarrier.arrive $0xFFFF  }
0x338: {  	_ =	shalt  }

</sc_bundles>
